<compile_context>
chip_gen: v7x
topology: tpu7x:2x2x1
jax: 0.10.2.dev20260603
libtpu: 0.0.44.dev20260713+nightly
codegen_flags: <defaults>
</compile_context>

<pallas_src>
import functools

import jax
import jax.numpy as jnp
import numpy as np
from jax import lax
from jax.experimental import pallas as pl
from jax.experimental.pallas import tpu as pltpu
from jax.experimental.pallas import tpu_sc as plsc

_G = 128
_L = 16
_NB = 5


def _embed_flat(table, idx, offs, n, e):
    info = plsc.get_sparse_core_info()
    nw = info.num_cores * info.num_subcores
    rpw = n // nw
    nwin = rpw // _G
    assert n == nw * nwin * _G

    mesh = plsc.VectorSubcoreMesh(core_axis_name="core",
                                  subcore_axis_name="subcore")

    @functools.partial(
        pl.kernel,
        out_type=jax.ShapeDtypeStruct((n, e), table.dtype),
        mesh=mesh,
        scratch_types=(
            [pltpu.VMEM((rpw,), jnp.int32),
             pltpu.VMEM((rpw,), jnp.int32)]
            + [pltpu.VMEM((_G,), jnp.int32) for _ in range(_NB)]
            + [pltpu.VMEM((_G, e), jnp.float32) for _ in range(_NB)]
            + [pltpu.SemaphoreType.DMA for _ in range(2 * _NB)]
        ),
    )
    def run(table_hbm, idx_hbm, offs_hbm, out_hbm, idx_v, offs_v, *bufs):
        fx = bufs[:_NB]
        rows = bufs[_NB:2 * _NB]
        gsem = bufs[2 * _NB:3 * _NB]
        osem = bufs[3 * _NB:4 * _NB]

        wid = (lax.axis_index("subcore") * info.num_cores
               + lax.axis_index("core"))
        base = wid * rpw

        pre = _NB * _G
        head = [
            pltpu.async_copy(idx_hbm.at[pl.ds(base, pre)],
                             idx_v.at[pl.ds(0, pre)], gsem[0]),
            pltpu.async_copy(offs_hbm.at[pl.ds(base, pre)],
                             offs_v.at[pl.ds(0, pre)], gsem[1]),
        ]
        tail = [
            pltpu.async_copy(idx_hbm.at[pl.ds(base + pre, rpw - pre)],
                             idx_v.at[pl.ds(pre, rpw - pre)], osem[0]),
            pltpu.async_copy(offs_hbm.at[pl.ds(base + pre, rpw - pre)],
                             offs_v.at[pl.ds(pre, rpw - pre)], osem[1]),
        ]
        for h in head:
            h.wait()

        def form_and_fire(j, b):
            for c in range(0, _G, _L):
                src = pl.ds(j * _G + c, _L)
                fx[b].at[pl.ds(c, _L)][...] = (
                    idx_v.at[src][...] + offs_v.at[src][...])
            pltpu.async_copy(table_hbm.at[fx[b]], rows[b], gsem[b])

        def wait_gather(b):
            pltpu.make_async_copy(table_hbm.at[fx[b]], rows[b],
                                  gsem[b]).wait()

        def start_out(i, b):
            pltpu.async_copy(rows[b],
                             out_hbm.at[pl.ds(base + i * _G, _G)], osem[b])

        def wait_out(i, b):
            pltpu.make_async_copy(rows[b],
                                  out_hbm.at[pl.ds(base + i * _G, _G)],
                                  osem[b]).wait()

        for w in range(_NB - 1):
            form_and_fire(w, w)
        for t in tail:
            t.wait()

        @pl.loop(0, nwin // _NB)
        def _(o):
            for b in range(_NB):
                i = o * _NB + b
                j = i + _NB - 1
                bj = (b + _NB - 1) % _NB
                @pl.when(j < nwin)
                def _():
                    @pl.when(j >= _NB)
                    def _():
                        wait_out(j - _NB, bj)
                    form_and_fire(j, bj)

                wait_gather(b)
                start_out(i, b)

        for w in range(nwin - _NB, nwin):
            wait_out(w, w % _NB)

    return run(table, idx, offs)


def kernel(x, parameter):
    s, p, e = parameter.shape
    b = x.shape[0]
    n = b * s
    table = parameter.reshape(s * p, e)
    idx = x.reshape(n).astype(jnp.int32)
    offs = jnp.asarray(np.tile(np.arange(s, dtype=np.int32) * p, b))
    out = _embed_flat(table, idx, offs, n, e)
    return out.reshape(b, s, e)

# --- scband reference (transcript-rebuilt; emitter-appended) ---
"""Pipeline reference for scband-embedding-7825430413837 (READ-ONLY COPY).

The authoritative reference and input builder live on the scoring server;
editing this copy changes nothing except your own understanding.
"""

import jax, jax.numpy as jnp
import numpy as np

SITES = 200
PHYS = 1000
EDIM = 128
BATCH = 1024


def setup_inputs(seed: int = 0) -> dict:
    key = jax.random.key(seed)
    k1, k2 = jax.random.split(key)
    x = jax.random.randint(k1, (BATCH, SITES), 0, PHYS, dtype=jnp.int64 if jax.config.jax_enable_x64 else jnp.int32)
    parameter = jax.random.normal(k2, (SITES, PHYS, EDIM), dtype=jnp.float32)
    return {"x": x, "parameter": parameter}


def reference(x, parameter):
    # Original torch forward:
    #   x: int[B, S] -> expand to [B, S, 1, E]
    #   parameter: [S, P, E] -> expand to [B, S, P, E]
    #   gather along dim -2, squeeze -> [B, S, E]
    # Mathematically equivalent gather: for each (b, s): parameter[s, x[b, s], :]
    S = parameter.shape[0]
    site_idx = jnp.arange(S)[None, :]  # [1, S], broadcasts against x [B, S]
    result = parameter[site_idx, x]  # [B, S, E]
    return result

if __name__ == "__main__":
    import jax
    _d = setup_inputs()
    print(jax.jit(kernel)(*tuple(_d.values())))

</pallas_src>

<mosaic_0001>
#map = affine_map<(d0, d1) -> (0, 0)>
#map1 = affine_map<(d0, d1) -> (0)>
module attributes {stable_mosaic.version = 14 : i64} {
  func.func @run(%arg0: i32, %arg1: i32, %arg2: memref<200000x128xf32, #tpu.memory_space<hbm>>, %arg3: memref<204800xi32, #tpu.memory_space<hbm>>, %arg4: memref<204800xi32, #tpu.memory_space<hbm>>, %arg5: memref<204800x128xf32, #tpu.memory_space<hbm>>, %arg6: memref<6400xi32, #tpu.memory_space<vmem>>, %arg7: memref<6400xi32, #tpu.memory_space<vmem>>, %arg8: memref<128xi32, #tpu.memory_space<vmem>>, %arg9: memref<128xi32, #tpu.memory_space<vmem>>, %arg10: memref<128xi32, #tpu.memory_space<vmem>>, %arg11: memref<128xi32, #tpu.memory_space<vmem>>, %arg12: memref<128xi32, #tpu.memory_space<vmem>>, %arg13: memref<128x128xf32, #tpu.memory_space<vmem>>, %arg14: memref<128x128xf32, #tpu.memory_space<vmem>>, %arg15: memref<128x128xf32, #tpu.memory_space<vmem>>, %arg16: memref<128x128xf32, #tpu.memory_space<vmem>>, %arg17: memref<128x128xf32, #tpu.memory_space<vmem>>, %arg18: memref<!tpu.dma_semaphore, #tpu.memory_space<semaphore_mem>>, %arg19: memref<!tpu.dma_semaphore, #tpu.memory_space<semaphore_mem>>, %arg20: memref<!tpu.dma_semaphore, #tpu.memory_space<semaphore_mem>>, %arg21: memref<!tpu.dma_semaphore, #tpu.memory_space<semaphore_mem>>, %arg22: memref<!tpu.dma_semaphore, #tpu.memory_space<semaphore_mem>>, %arg23: memref<!tpu.dma_semaphore, #tpu.memory_space<semaphore_mem>>, %arg24: memref<!tpu.dma_semaphore, #tpu.memory_space<semaphore_mem>>, %arg25: memref<!tpu.dma_semaphore, #tpu.memory_space<semaphore_mem>>, %arg26: memref<!tpu.dma_semaphore, #tpu.memory_space<semaphore_mem>>, %arg27: memref<!tpu.dma_semaphore, #tpu.memory_space<semaphore_mem>>) attributes {dimension_semantics = [#tpu.dimension_semantics<core_parallel>, #tpu.dimension_semantics<subcore_parallel>], iteration_bounds = array<i64: 2, 16>, scalar_prefetch = 0 : i64, scratch_operands = 22 : i64, tpu.core_type = #tpu.core_type<sc_vector_subcore>, window_params = [{transform_indices = #map}, {transform_indices = #map1}, {transform_indices = #map1}, {transform_indices = #map}]} {
    %mul3A = arith.constant 2 : i32
    %mul3A_0 = arith.muli %arg1, %mul3A : i32
    %add3A = arith.addi %mul3A_0, %arg0 : i32
    %mul3A_1 = arith.constant 6400 : i32
    %mul3A_2 = arith.muli %add3A, %mul3A_1 : i32
    %dma_start3A = arith.constant 0 : i32
    %dma_start3A_3 = tpu.memref_slice %arg6[%dma_start3A] : memref<6400xi32, #tpu.memory_space<vmem>> -> memref<640xi32, #tpu.memory_space<vmem>>
    %dma_start3A_4 = tpu.memref_slice %arg3[%mul3A_2] : memref<204800xi32, #tpu.memory_space<hbm>> -> memref<640xi32, #tpu.memory_space<hbm>>
    %dma_start3A_5 = arith.constant 0 : i32
    %dma_start3A_6 = tpu.memref_slice %arg6[%dma_start3A_5] : memref<6400xi32, #tpu.memory_space<vmem>> -> memref<640xi32, #tpu.memory_space<vmem>>
    %dma_start3A_7 = tpu.memref_slice %arg3[%mul3A_2] : memref<204800xi32, #tpu.memory_space<hbm>> -> memref<640xi32, #tpu.memory_space<hbm>>
    tpu.enqueue_dma source(%dma_start3A_7 : memref<640xi32, #tpu.memory_space<hbm>>) target(%dma_start3A_6 : memref<640xi32, #tpu.memory_space<vmem>>) target_semaphore(%arg18 : memref<!tpu.dma_semaphore, #tpu.memory_space<semaphore_mem>>)
    %dma_start3A_8 = arith.constant 0 : i32
    %dma_start3A_9 = tpu.memref_slice %arg7[%dma_start3A_8] : memref<6400xi32, #tpu.memory_space<vmem>> -> memref<640xi32, #tpu.memory_space<vmem>>
    %dma_start3A_10 = tpu.memref_slice %arg4[%mul3A_2] : memref<204800xi32, #tpu.memory_space<hbm>> -> memref<640xi32, #tpu.memory_space<hbm>>
    %dma_start3A_11 = arith.constant 0 : i32
    %dma_start3A_12 = tpu.memref_slice %arg7[%dma_start3A_11] : memref<6400xi32, #tpu.memory_space<vmem>> -> memref<640xi32, #tpu.memory_space<vmem>>
    %dma_start3A_13 = tpu.memref_slice %arg4[%mul3A_2] : memref<204800xi32, #tpu.memory_space<hbm>> -> memref<640xi32, #tpu.memory_space<hbm>>
    tpu.enqueue_dma source(%dma_start3A_13 : memref<640xi32, #tpu.memory_space<hbm>>) target(%dma_start3A_12 : memref<640xi32, #tpu.memory_space<vmem>>) target_semaphore(%arg19 : memref<!tpu.dma_semaphore, #tpu.memory_space<semaphore_mem>>)
    %add3A_14 = arith.constant 640 : i32
    %add3A_15 = arith.addi %mul3A_2, %add3A_14 : i32
    %dma_start3A_16 = arith.constant 640 : i32
    %dma_start3A_17 = tpu.memref_slice %arg6[%dma_start3A_16] : memref<6400xi32, #tpu.memory_space<vmem>> -> memref<5760xi32, #tpu.memory_space<vmem>>
    %dma_start3A_18 = tpu.memref_slice %arg3[%add3A_15] : memref<204800xi32, #tpu.memory_space<hbm>> -> memref<5760xi32, #tpu.memory_space<hbm>>
    %dma_start3A_19 = arith.constant 640 : i32
    %dma_start3A_20 = tpu.memref_slice %arg6[%dma_start3A_19] : memref<6400xi32, #tpu.memory_space<vmem>> -> memref<5760xi32, #tpu.memory_space<vmem>>
    %dma_start3A_21 = tpu.memref_slice %arg3[%add3A_15] : memref<204800xi32, #tpu.memory_space<hbm>> -> memref<5760xi32, #tpu.memory_space<hbm>>
    tpu.enqueue_dma source(%dma_start3A_21 : memref<5760xi32, #tpu.memory_space<hbm>>) target(%dma_start3A_20 : memref<5760xi32, #tpu.memory_space<vmem>>) target_semaphore(%arg23 : memref<!tpu.dma_semaphore, #tpu.memory_space<semaphore_mem>>)
    %add3A_22 = arith.constant 640 : i32
    %add3A_23 = arith.addi %mul3A_2, %add3A_22 : i32
    %dma_start3A_24 = arith.constant 640 : i32
    %dma_start3A_25 = tpu.memref_slice %arg7[%dma_start3A_24] : memref<6400xi32, #tpu.memory_space<vmem>> -> memref<5760xi32, #tpu.memory_space<vmem>>
    %dma_start3A_26 = tpu.memref_slice %arg4[%add3A_23] : memref<204800xi32, #tpu.memory_space<hbm>> -> memref<5760xi32, #tpu.memory_space<hbm>>
    %dma_start3A_27 = arith.constant 640 : i32
    %dma_start3A_28 = tpu.memref_slice %arg7[%dma_start3A_27] : memref<6400xi32, #tpu.memory_space<vmem>> -> memref<5760xi32, #tpu.memory_space<vmem>>
    %dma_start3A_29 = tpu.memref_slice %arg4[%add3A_23] : memref<204800xi32, #tpu.memory_space<hbm>> -> memref<5760xi32, #tpu.memory_space<hbm>>
    tpu.enqueue_dma source(%dma_start3A_29 : memref<5760xi32, #tpu.memory_space<hbm>>) target(%dma_start3A_28 : memref<5760xi32, #tpu.memory_space<vmem>>) target_semaphore(%arg24 : memref<!tpu.dma_semaphore, #tpu.memory_space<semaphore_mem>>)
    %dma_wait3A = arith.constant 0 : i32
    %dma_wait3A_30 = tpu.memref_slice %arg6[%dma_wait3A] : memref<6400xi32, #tpu.memory_space<vmem>> -> memref<640xi32, #tpu.memory_space<vmem>>
    %dma_wait3A_31 = tpu.memref_slice %arg3[%mul3A_2] : memref<204800xi32, #tpu.memory_space<hbm>> -> memref<640xi32, #tpu.memory_space<hbm>>
    %dma_wait3A_32 = arith.constant 0 : i32
    %dma_wait3A_33 = tpu.memref_slice %arg6[%dma_wait3A_32] : memref<6400xi32, #tpu.memory_space<vmem>> -> memref<640xi32, #tpu.memory_space<vmem>>
    %dma_wait3A_34 = tpu.memref_slice %arg3[%mul3A_2] : memref<204800xi32, #tpu.memory_space<hbm>> -> memref<640xi32, #tpu.memory_space<hbm>>
    tpu.wait_dma2 semaphore(%arg18 : memref<!tpu.dma_semaphore, #tpu.memory_space<semaphore_mem>>) src(%dma_wait3A_34 : memref<640xi32, #tpu.memory_space<hbm>>) dst(%dma_wait3A_33 : memref<640xi32, #tpu.memory_space<vmem>>)
    %dma_wait3A_35 = arith.constant 0 : i32
    %dma_wait3A_36 = tpu.memref_slice %arg7[%dma_wait3A_35] : memref<6400xi32, #tpu.memory_space<vmem>> -> memref<640xi32, #tpu.memory_space<vmem>>
    %dma_wait3A_37 = tpu.memref_slice %arg4[%mul3A_2] : memref<204800xi32, #tpu.memory_space<hbm>> -> memref<640xi32, #tpu.memory_space<hbm>>
    %dma_wait3A_38 = arith.constant 0 : i32
    %dma_wait3A_39 = tpu.memref_slice %arg7[%dma_wait3A_38] : memref<6400xi32, #tpu.memory_space<vmem>> -> memref<640xi32, #tpu.memory_space<vmem>>
    %dma_wait3A_40 = tpu.memref_slice %arg4[%mul3A_2] : memref<204800xi32, #tpu.memory_space<hbm>> -> memref<640xi32, #tpu.memory_space<hbm>>
    tpu.wait_dma2 semaphore(%arg19 : memref<!tpu.dma_semaphore, #tpu.memory_space<semaphore_mem>>) src(%dma_wait3A_40 : memref<640xi32, #tpu.memory_space<hbm>>) dst(%dma_wait3A_39 : memref<640xi32, #tpu.memory_space<vmem>>)
    %get3A = arith.constant 0 : index
    %get3A_41 = tpu.vector_load %arg6[%get3A] {strides = array<i32>} : memref<6400xi32, #tpu.memory_space<vmem>>, vector<16xi32>,
    %get3A_42 = vector.shape_cast %get3A_41 : vector<16xi32> to vector<16xi32>
    %get3A_43 = arith.constant 0 : index
    %get3A_44 = tpu.vector_load %arg7[%get3A_43] {strides = array<i32>} : memref<6400xi32, #tpu.memory_space<vmem>>, vector<16xi32>,
    %get3A_45 = vector.shape_cast %get3A_44 : vector<16xi32> to vector<16xi32>
    %add3A_46 = arith.addi %get3A_42, %get3A_45 : vector<16xi32>
    %swap3A = arith.constant 0 : index
    %swap3A_47 = tpu.vector_load %arg8[%swap3A] {strides = array<i32>} : memref<128xi32, #tpu.memory_space<vmem>>, vector<16xi32>,
    %swap3A_48 = vector.shape_cast %swap3A_47 : vector<16xi32> to vector<16xi32>
    %swap3A_49 = vector.shape_cast %add3A_46 : vector<16xi32> to vector<16xi32>
    tpu.vector_store %arg8[%swap3A], %swap3A_49 {strides = array<i32>} : memref<128xi32, #tpu.memory_space<vmem>>, vector<16xi32>,
    %get3A_50 = arith.constant 16 : index
    %get3A_51 = tpu.vector_load %arg6[%get3A_50] {strides = array<i32>} : memref<6400xi32, #tpu.memory_space<vmem>>, vector<16xi32>,
    %get3A_52 = vector.shape_cast %get3A_51 : vector<16xi32> to vector<16xi32>
    %get3A_53 = arith.constant 16 : index
    %get3A_54 = tpu.vector_load %arg7[%get3A_53] {strides = array<i32>} : memref<6400xi32, #tpu.memory_space<vmem>>, vector<16xi32>,
    %get3A_55 = vector.shape_cast %get3A_54 : vector<16xi32> to vector<16xi32>
    %add3A_56 = arith.addi %get3A_52, %get3A_55 : vector<16xi32>
    %swap3A_57 = arith.constant 16 : index
    %swap3A_58 = tpu.vector_load %arg8[%swap3A_57] {strides = array<i32>} : memref<128xi32, #tpu.memory_space<vmem>>, vector<16xi32>,
    %swap3A_59 = vector.shape_cast %swap3A_58 : vector<16xi32> to vector<16xi32>
    %swap3A_60 = vector.shape_cast %add3A_56 : vector<16xi32> to vector<16xi32>
    tpu.vector_store %arg8[%swap3A_57], %swap3A_60 {strides = array<i32>} : memref<128xi32, #tpu.memory_space<vmem>>, vector<16xi32>,
    %get3A_61 = arith.constant 32 : index
    %get3A_62 = tpu.vector_load %arg6[%get3A_61] {strides = array<i32>} : memref<6400xi32, #tpu.memory_space<vmem>>, vector<16xi32>,
    %get3A_63 = vector.shape_cast %get3A_62 : vector<16xi32> to vector<16xi32>
    %get3A_64 = arith.constant 32 : index
    %get3A_65 = tpu.vector_load %arg7[%get3A_64] {strides = array<i32>} : memref<6400xi32, #tpu.memory_space<vmem>>, vector<16xi32>,
    %get3A_66 = vector.shape_cast %get3A_65 : vector<16xi32> to vector<16xi32>
    %add3A_67 = arith.addi %get3A_63, %get3A_66 : vector<16xi32>
    %swap3A_68 = arith.constant 32 : index
    %swap3A_69 = tpu.vector_load %arg8[%swap3A_68] {strides = array<i32>} : memref<128xi32, #tpu.memory_space<vmem>>, vector<16xi32>,
    %swap3A_70 = vector.shape_cast %swap3A_69 : vector<16xi32> to vector<16xi32>
    %swap3A_71 = vector.shape_cast %add3A_67 : vector<16xi32> to vector<16xi32>
    tpu.vector_store %arg8[%swap3A_68], %swap3A_71 {strides = array<i32>} : memref<128xi32, #tpu.memory_space<vmem>>, vector<16xi32>,
    %get3A_72 = arith.constant 48 : index
    %get3A_73 = tpu.vector_load %arg6[%get3A_72] {strides = array<i32>} : memref<6400xi32, #tpu.memory_space<vmem>>, vector<16xi32>,
    %get3A_74 = vector.shape_cast %get3A_73 : vector<16xi32> to vector<16xi32>
    %get3A_75 = arith.constant 48 : index
    %get3A_76 = tpu.vector_load %arg7[%get3A_75] {strides = array<i32>} : memref<6400xi32, #tpu.memory_space<vmem>>, vector<16xi32>,
    %get3A_77 = vector.shape_cast %get3A_76 : vector<16xi32> to vector<16xi32>
    %add3A_78 = arith.addi %get3A_74, %get3A_77 : vector<16xi32>
    %swap3A_79 = arith.constant 48 : index
    %swap3A_80 = tpu.vector_load %arg8[%swap3A_79] {strides = array<i32>} : memref<128xi32, #tpu.memory_space<vmem>>, vector<16xi32>,
    %swap3A_81 = vector.shape_cast %swap3A_80 : vector<16xi32> to vector<16xi32>
    %swap3A_82 = vector.shape_cast %add3A_78 : vector<16xi32> to vector<16xi32>
    tpu.vector_store %arg8[%swap3A_79], %swap3A_82 {strides = array<i32>} : memref<128xi32, #tpu.memory_space<vmem>>, vector<16xi32>,
    %get3A_83 = arith.constant 64 : index
    %get3A_84 = tpu.vector_load %arg6[%get3A_83] {strides = array<i32>} : memref<6400xi32, #tpu.memory_space<vmem>>, vector<16xi32>,
    %get3A_85 = vector.shape_cast %get3A_84 : vector<16xi32> to vector<16xi32>
    %get3A_86 = arith.constant 64 : index
    %get3A_87 = tpu.vector_load %arg7[%get3A_86] {strides = array<i32>} : memref<6400xi32, #tpu.memory_space<vmem>>, vector<16xi32>,
    %get3A_88 = vector.shape_cast %get3A_87 : vector<16xi32> to vector<16xi32>
    %add3A_89 = arith.addi %get3A_85, %get3A_88 : vector<16xi32>
    %swap3A_90 = arith.constant 64 : index
    %swap3A_91 = tpu.vector_load %arg8[%swap3A_90] {strides = array<i32>} : memref<128xi32, #tpu.memory_space<vmem>>, vector<16xi32>,
    %swap3A_92 = vector.shape_cast %swap3A_91 : vector<16xi32> to vector<16xi32>
    %swap3A_93 = vector.shape_cast %add3A_89 : vector<16xi32> to vector<16xi32>
    tpu.vector_store %arg8[%swap3A_90], %swap3A_93 {strides = array<i32>} : memref<128xi32, #tpu.memory_space<vmem>>, vector<16xi32>,
    %get3A_94 = arith.constant 80 : index
    %get3A_95 = tpu.vector_load %arg6[%get3A_94] {strides = array<i32>} : memref<6400xi32, #tpu.memory_space<vmem>>, vector<16xi32>,
    %get3A_96 = vector.shape_cast %get3A_95 : vector<16xi32> to vector<16xi32>
    %get3A_97 = arith.constant 80 : index
    %get3A_98 = tpu.vector_load %arg7[%get3A_97] {strides = array<i32>} : memref<6400xi32, #tpu.memory_space<vmem>>, vector<16xi32>,
    %get3A_99 = vector.shape_cast %get3A_98 : vector<16xi32> to vector<16xi32>
    %add3A_100 = arith.addi %get3A_96, %get3A_99 : vector<16xi32>
    %swap3A_101 = arith.constant 80 : index
    %swap3A_102 = tpu.vector_load %arg8[%swap3A_101] {strides = array<i32>} : memref<128xi32, #tpu.memory_space<vmem>>, vector<16xi32>,
    %swap3A_103 = vector.shape_cast %swap3A_102 : vector<16xi32> to vector<16xi32>
    %swap3A_104 = vector.shape_cast %add3A_100 : vector<16xi32> to vector<16xi32>
    tpu.vector_store %arg8[%swap3A_101], %swap3A_104 {strides = array<i32>} : memref<128xi32, #tpu.memory_space<vmem>>, vector<16xi32>,
    %get3A_105 = arith.constant 96 : index
    %get3A_106 = tpu.vector_load %arg6[%get3A_105] {strides = array<i32>} : memref<6400xi32, #tpu.memory_space<vmem>>, vector<16xi32>,
    %get3A_107 = vector.shape_cast %get3A_106 : vector<16xi32> to vector<16xi32>
    %get3A_108 = arith.constant 96 : index
    %get3A_109 = tpu.vector_load %arg7[%get3A_108] {strides = array<i32>} : memref<6400xi32, #tpu.memory_space<vmem>>, vector<16xi32>,
    %get3A_110 = vector.shape_cast %get3A_109 : vector<16xi32> to vector<16xi32>
    %add3A_111 = arith.addi %get3A_107, %get3A_110 : vector<16xi32>
    %swap3A_112 = arith.constant 96 : index
    %swap3A_113 = tpu.vector_load %arg8[%swap3A_112] {strides = array<i32>} : memref<128xi32, #tpu.memory_space<vmem>>, vector<16xi32>,
    %swap3A_114 = vector.shape_cast %swap3A_113 : vector<16xi32> to vector<16xi32>
    %swap3A_115 = vector.shape_cast %add3A_111 : vector<16xi32> to vector<16xi32>
    tpu.vector_store %arg8[%swap3A_112], %swap3A_115 {strides = array<i32>} : memref<128xi32, #tpu.memory_space<vmem>>, vector<16xi32>,
    %get3A_116 = arith.constant 112 : index
    %get3A_117 = tpu.vector_load %arg6[%get3A_116] {strides = array<i32>} : memref<6400xi32, #tpu.memory_space<vmem>>, vector<16xi32>,
    %get3A_118 = vector.shape_cast %get3A_117 : vector<16xi32> to vector<16xi32>
    %get3A_119 = arith.constant 112 : index
    %get3A_120 = tpu.vector_load %arg7[%get3A_119] {strides = array<i32>} : memref<6400xi32, #tpu.memory_space<vmem>>, vector<16xi32>,
    %get3A_121 = vector.shape_cast %get3A_120 : vector<16xi32> to vector<16xi32>
    %add3A_122 = arith.addi %get3A_118, %get3A_121 : vector<16xi32>
    %swap3A_123 = arith.constant 112 : index
    %swap3A_124 = tpu.vector_load %arg8[%swap3A_123] {strides = array<i32>} : memref<128xi32, #tpu.memory_space<vmem>>, vector<16xi32>,
    %swap3A_125 = vector.shape_cast %swap3A_124 : vector<16xi32> to vector<16xi32>
    %swap3A_126 = vector.shape_cast %add3A_122 : vector<16xi32> to vector<16xi32>
    tpu.vector_store %arg8[%swap3A_123], %swap3A_126 {strides = array<i32>} : memref<128xi32, #tpu.memory_space<vmem>>, vector<16xi32>,
    %dma_start3A_127 = arith.constant 0 : i32
    %dma_start3A_128 = arith.constant 0 : i32
    %dma_start3A_129 = tpu.memref_slice %arg2[%dma_start3A_127, %dma_start3A_128] : memref<200000x128xf32, #tpu.memory_space<hbm>> -> memref<200000x128xf32, #tpu.memory_space<hbm>>
    tpu.enqueue_indirect_dma source(%dma_start3A_129 : memref<200000x128xf32, #tpu.memory_space<hbm>>) target(%arg13 : memref<128x128xf32, #tpu.memory_space<vmem>>) offsets(%arg8 : memref<128xi32, #tpu.memory_space<vmem>>) semaphore(%arg18 : memref<!tpu.dma_semaphore, #tpu.memory_space<semaphore_mem>>)
    %get3A_130 = arith.constant 128 : index
    %get3A_131 = tpu.vector_load %arg6[%get3A_130] {strides = array<i32>} : memref<6400xi32, #tpu.memory_space<vmem>>, vector<16xi32>,
    %get3A_132 = vector.shape_cast %get3A_131 : vector<16xi32> to vector<16xi32>
    %get3A_133 = arith.constant 128 : index
    %get3A_134 = tpu.vector_load %arg7[%get3A_133] {strides = array<i32>} : memref<6400xi32, #tpu.memory_space<vmem>>, vector<16xi32>,
    %get3A_135 = vector.shape_cast %get3A_134 : vector<16xi32> to vector<16xi32>
    %add3A_136 = arith.addi %get3A_132, %get3A_135 : vector<16xi32>
    %swap3A_137 = arith.constant 0 : index
    %swap3A_138 = tpu.vector_load %arg9[%swap3A_137] {strides = array<i32>} : memref<128xi32, #tpu.memory_space<vmem>>, vector<16xi32>,
    %swap3A_139 = vector.shape_cast %swap3A_138 : vector<16xi32> to vector<16xi32>
    %swap3A_140 = vector.shape_cast %add3A_136 : vector<16xi32> to vector<16xi32>
    tpu.vector_store %arg9[%swap3A_137], %swap3A_140 {strides = array<i32>} : memref<128xi32, #tpu.memory_space<vmem>>, vector<16xi32>,
    %get3A_141 = arith.constant 144 : index
    %get3A_142 = tpu.vector_load %arg6[%get3A_141] {strides = array<i32>} : memref<6400xi32, #tpu.memory_space<vmem>>, vector<16xi32>,
    %get3A_143 = vector.shape_cast %get3A_142 : vector<16xi32> to vector<16xi32>
    %get3A_144 = arith.constant 144 : index
    %get3A_145 = tpu.vector_load %arg7[%get3A_144] {strides = array<i32>} : memref<6400xi32, #tpu.memory_space<vmem>>, vector<16xi32>,
    %get3A_146 = vector.shape_cast %get3A_145 : vector<16xi32> to vector<16xi32>
    %add3A_147 = arith.addi %get3A_143, %get3A_146 : vector<16xi32>
    %swap3A_148 = arith.constant 16 : index
    %swap3A_149 = tpu.vector_load %arg9[%swap3A_148] {strides = array<i32>} : memref<128xi32, #tpu.memory_space<vmem>>, vector<16xi32>,
    %swap3A_150 = vector.shape_cast %swap3A_149 : vector<16xi32> to vector<16xi32>
    %swap3A_151 = vector.shape_cast %add3A_147 : vector<16xi32> to vector<16xi32>
    tpu.vector_store %arg9[%swap3A_148], %swap3A_151 {strides = array<i32>} : memref<128xi32, #tpu.memory_space<vmem>>, vector<16xi32>,
    %get3A_152 = arith.constant 160 : index
    %get3A_153 = tpu.vector_load %arg6[%get3A_152] {strides = array<i32>} : memref<6400xi32, #tpu.memory_space<vmem>>, vector<16xi32>,
    %get3A_154 = vector.shape_cast %get3A_153 : vector<16xi32> to vector<16xi32>
    %get3A_155 = arith.constant 160 : index
    %get3A_156 = tpu.vector_load %arg7[%get3A_155] {strides = array<i32>} : memref<6400xi32, #tpu.memory_space<vmem>>, vector<16xi32>,
    %get3A_157 = vector.shape_cast %get3A_156 : vector<16xi32> to vector<16xi32>
    %add3A_158 = arith.addi %get3A_154, %get3A_157 : vector<16xi32>
    %swap3A_159 = arith.constant 32 : index
    %swap3A_160 = tpu.vector_load %arg9[%swap3A_159] {strides = array<i32>} : memref<128xi32, #tpu.memory_space<vmem>>, vector<16xi32>,
    %swap3A_161 = vector.shape_cast %swap3A_160 : vector<16xi32> to vector<16xi32>
    %swap3A_162 = vector.shape_cast %add3A_158 : vector<16xi32> to vector<16xi32>
    tpu.vector_store %arg9[%swap3A_159], %swap3A_162 {strides = array<i32>} : memref<128xi32, #tpu.memory_space<vmem>>, vector<16xi32>,
    %get3A_163 = arith.constant 176 : index
    %get3A_164 = tpu.vector_load %arg6[%get3A_163] {strides = array<i32>} : memref<6400xi32, #tpu.memory_space<vmem>>, vector<16xi32>,
    %get3A_165 = vector.shape_cast %get3A_164 : vector<16xi32> to vector<16xi32>
    %get3A_166 = arith.constant 176 : index
    %get3A_167 = tpu.vector_load %arg7[%get3A_166] {strides = array<i32>} : memref<6400xi32, #tpu.memory_space<vmem>>, vector<16xi32>,
    %get3A_168 = vector.shape_cast %get3A_167 : vector<16xi32> to vector<16xi32>
    %add3A_169 = arith.addi %get3A_165, %get3A_168 : vector<16xi32>
    %swap3A_170 = arith.constant 48 : index
    %swap3A_171 = tpu.vector_load %arg9[%swap3A_170] {strides = array<i32>} : memref<128xi32, #tpu.memory_space<vmem>>, vector<16xi32>,
    %swap3A_172 = vector.shape_cast %swap3A_171 : vector<16xi32> to vector<16xi32>
    %swap3A_173 = vector.shape_cast %add3A_169 : vector<16xi32> to vector<16xi32>
    tpu.vector_store %arg9[%swap3A_170], %swap3A_173 {strides = array<i32>} : memref<128xi32, #tpu.memory_space<vmem>>, vector<16xi32>,
    %get3A_174 = arith.constant 192 : index
    %get3A_175 = tpu.vector_load %arg6[%get3A_174] {strides = array<i32>} : memref<6400xi32, #tpu.memory_space<vmem>>, vector<16xi32>,
    %get3A_176 = vector.shape_cast %get3A_175 : vector<16xi32> to vector<16xi32>
    %get3A_177 = arith.constant 192 : index
    %get3A_178 = tpu.vector_load %arg7[%get3A_177] {strides = array<i32>} : memref<6400xi32, #tpu.memory_space<vmem>>, vector<16xi32>,
    %get3A_179 = vector.shape_cast %get3A_178 : vector<16xi32> to vector<16xi32>
    %add3A_180 = arith.addi %get3A_176, %get3A_179 : vector<16xi32>
    %swap3A_181 = arith.constant 64 : index
    %swap3A_182 = tpu.vector_load %arg9[%swap3A_181] {strides = array<i32>} : memref<128xi32, #tpu.memory_space<vmem>>, vector<16xi32>,
    %swap3A_183 = vector.shape_cast %swap3A_182 : vector<16xi32> to vector<16xi32>
    %swap3A_184 = vector.shape_cast %add3A_180 : vector<16xi32> to vector<16xi32>
    tpu.vector_store %arg9[%swap3A_181], %swap3A_184 {strides = array<i32>} : memref<128xi32, #tpu.memory_space<vmem>>, vector<16xi32>,
    %get3A_185 = arith.constant 208 : index
    %get3A_186 = tpu.vector_load %arg6[%get3A_185] {strides = array<i32>} : memref<6400xi32, #tpu.memory_space<vmem>>, vector<16xi32>,
    %get3A_187 = vector.shape_cast %get3A_186 : vector<16xi32> to vector<16xi32>
    %get3A_188 = arith.constant 208 : index
    %get3A_189 = tpu.vector_load %arg7[%get3A_188] {strides = array<i32>} : memref<6400xi32, #tpu.memory_space<vmem>>, vector<16xi32>,
    %get3A_190 = vector.shape_cast %get3A_189 : vector<16xi32> to vector<16xi32>
    %add3A_191 = arith.addi %get3A_187, %get3A_190 : vector<16xi32>
    %swap3A_192 = arith.constant 80 : index
    %swap3A_193 = tpu.vector_load %arg9[%swap3A_192] {strides = array<i32>} : memref<128xi32, #tpu.memory_space<vmem>>, vector<16xi32>,
    %swap3A_194 = vector.shape_cast %swap3A_193 : vector<16xi32> to vector<16xi32>
    %swap3A_195 = vector.shape_cast %add3A_191 : vector<16xi32> to vector<16xi32>
    tpu.vector_store %arg9[%swap3A_192], %swap3A_195 {strides = array<i32>} : memref<128xi32, #tpu.memory_space<vmem>>, vector<16xi32>,
    %get3A_196 = arith.constant 224 : index
    %get3A_197 = tpu.vector_load %arg6[%get3A_196] {strides = array<i32>} : memref<6400xi32, #tpu.memory_space<vmem>>, vector<16xi32>,
    %get3A_198 = vector.shape_cast %get3A_197 : vector<16xi32> to vector<16xi32>
    %get3A_199 = arith.constant 224 : index
    %get3A_200 = tpu.vector_load %arg7[%get3A_199] {strides = array<i32>} : memref<6400xi32, #tpu.memory_space<vmem>>, vector<16xi32>,
    %get3A_201 = vector.shape_cast %get3A_200 : vector<16xi32> to vector<16xi32>
    %add3A_202 = arith.addi %get3A_198, %get3A_201 : vector<16xi32>
    %swap3A_203 = arith.constant 96 : index
    %swap3A_204 = tpu.vector_load %arg9[%swap3A_203] {strides = array<i32>} : memref<128xi32, #tpu.memory_space<vmem>>, vector<16xi32>,
    %swap3A_205 = vector.shape_cast %swap3A_204 : vector<16xi32> to vector<16xi32>
    %swap3A_206 = vector.shape_cast %add3A_202 : vector<16xi32> to vector<16xi32>
    tpu.vector_store %arg9[%swap3A_203], %swap3A_206 {strides = array<i32>} : memref<128xi32, #tpu.memory_space<vmem>>, vector<16xi32>,
    %get3A_207 = arith.constant 240 : index
    %get3A_208 = tpu.vector_load %arg6[%get3A_207] {strides = array<i32>} : memref<6400xi32, #tpu.memory_space<vmem>>, vector<16xi32>,
    %get3A_209 = vector.shape_cast %get3A_208 : vector<16xi32> to vector<16xi32>
    %get3A_210 = arith.constant 240 : index
    %get3A_211 = tpu.vector_load %arg7[%get3A_210] {strides = array<i32>} : memref<6400xi32, #tpu.memory_space<vmem>>, vector<16xi32>,
    %get3A_212 = vector.shape_cast %get3A_211 : vector<16xi32> to vector<16xi32>
    %add3A_213 = arith.addi %get3A_209, %get3A_212 : vector<16xi32>
    %swap3A_214 = arith.constant 112 : index
    %swap3A_215 = tpu.vector_load %arg9[%swap3A_214] {strides = array<i32>} : memref<128xi32, #tpu.memory_space<vmem>>, vector<16xi32>,
    %swap3A_216 = vector.shape_cast %swap3A_215 : vector<16xi32> to vector<16xi32>
    %swap3A_217 = vector.shape_cast %add3A_213 : vector<16xi32> to vector<16xi32>
    tpu.vector_store %arg9[%swap3A_214], %swap3A_217 {strides = array<i32>} : memref<128xi32, #tpu.memory_space<vmem>>, vector<16xi32>,
    %dma_start3A_218 = arith.constant 0 : i32
    %dma_start3A_219 = arith.constant 0 : i32
    %dma_start3A_220 = tpu.memref_slice %arg2[%dma_start3A_218, %dma_start3A_219] : memref<200000x128xf32, #tpu.memory_space<hbm>> -> memref<200000x128xf32, #tpu.memory_space<hbm>>
    tpu.enqueue_indirect_dma source(%dma_start3A_220 : memref<200000x128xf32, #tpu.memory_space<hbm>>) target(%arg14 : memref<128x128xf32, #tpu.memory_space<vmem>>) offsets(%arg9 : memref<128xi32, #tpu.memory_space<vmem>>) semaphore(%arg19 : memref<!tpu.dma_semaphore, #tpu.memory_space<semaphore_mem>>)
    %get3A_221 = arith.constant 256 : index
    %get3A_222 = tpu.vector_load %arg6[%get3A_221] {strides = array<i32>} : memref<6400xi32, #tpu.memory_space<vmem>>, vector<16xi32>,
    %get3A_223 = vector.shape_cast %get3A_222 : vector<16xi32> to vector<16xi32>
    %get3A_224 = arith.constant 256 : index
    %get3A_225 = tpu.vector_load %arg7[%get3A_224] {strides = array<i32>} : memref<6400xi32, #tpu.memory_space<vmem>>, vector<16xi32>,
    %get3A_226 = vector.shape_cast %get3A_225 : vector<16xi32> to vector<16xi32>
    %add3A_227 = arith.addi %get3A_223, %get3A_226 : vector<16xi32>
    %swap3A_228 = arith.constant 0 : index
    %swap3A_229 = tpu.vector_load %arg10[%swap3A_228] {strides = array<i32>} : memref<128xi32, #tpu.memory_space<vmem>>, vector<16xi32>,
    %swap3A_230 = vector.shape_cast %swap3A_229 : vector<16xi32> to vector<16xi32>
    %swap3A_231 = vector.shape_cast %add3A_227 : vector<16xi32> to vector<16xi32>
    tpu.vector_store %arg10[%swap3A_228], %swap3A_231 {strides = array<i32>} : memref<128xi32, #tpu.memory_space<vmem>>, vector<16xi32>,
    %get3A_232 = arith.constant 272 : index
    %get3A_233 = tpu.vector_load %arg6[%get3A_232] {strides = array<i32>} : memref<6400xi32, #tpu.memory_space<vmem>>, vector<16xi32>,
    %get3A_234 = vector.shape_cast %get3A_233 : vector<16xi32> to vector<16xi32>
    %get3A_235 = arith.constant 272 : index
    %get3A_236 = tpu.vector_load %arg7[%get3A_235] {strides = array<i32>} : memref<6400xi32, #tpu.memory_space<vmem>>, vector<16xi32>,
    %get3A_237 = vector.shape_cast %get3A_236 : vector<16xi32> to vector<16xi32>
    %add3A_238 = arith.addi %get3A_234, %get3A_237 : vector<16xi32>
    %swap3A_239 = arith.constant 16 : index
    %swap3A_240 = tpu.vector_load %arg10[%swap3A_239] {strides = array<i32>} : memref<128xi32, #tpu.memory_space<vmem>>, vector<16xi32>,
    %swap3A_241 = vector.shape_cast %swap3A_240 : vector<16xi32> to vector<16xi32>
    %swap3A_242 = vector.shape_cast %add3A_238 : vector<16xi32> to vector<16xi32>
    tpu.vector_store %arg10[%swap3A_239], %swap3A_242 {strides = array<i32>} : memref<128xi32, #tpu.memory_space<vmem>>, vector<16xi32>,
    %get3A_243 = arith.constant 288 : index
    %get3A_244 = tpu.vector_load %arg6[%get3A_243] {strides = array<i32>} : memref<6400xi32, #tpu.memory_space<vmem>>, vector<16xi32>,
    %get3A_245 = vector.shape_cast %get3A_244 : vector<16xi32> to vector<16xi32>
    %get3A_246 = arith.constant 288 : index
    %get3A_247 = tpu.vector_load %arg7[%get3A_246] {strides = array<i32>} : memref<6400xi32, #tpu.memory_space<vmem>>, vector<16xi32>,
    %get3A_248 = vector.shape_cast %get3A_247 : vector<16xi32> to vector<16xi32>
    %add3A_249 = arith.addi %get3A_245, %get3A_248 : vector<16xi32>
    %swap3A_250 = arith.constant 32 : index
    %swap3A_251 = tpu.vector_load %arg10[%swap3A_250] {strides = array<i32>} : memref<128xi32, #tpu.memory_space<vmem>>, vector<16xi32>,
    %swap3A_252 = vector.shape_cast %swap3A_251 : vector<16xi32> to vector<16xi32>
    %swap3A_253 = vector.shape_cast %add3A_249 : vector<16xi32> to vector<16xi32>
    tpu.vector_store %arg10[%swap3A_250], %swap3A_253 {strides = array<i32>} : memref<128xi32, #tpu.memory_space<vmem>>, vector<16xi32>,
    %get3A_254 = arith.constant 304 : index
    %get3A_255 = tpu.vector_load %arg6[%get3A_254] {strides = array<i32>} : memref<6400xi32, #tpu.memory_space<vmem>>, vector<16xi32>,
    %get3A_256 = vector.shape_cast %get3A_255 : vector<16xi32> to vector<16xi32>
    %get3A_257 = arith.constant 304 : index
    %get3A_258 = tpu.vector_load %arg7[%get3A_257] {strides = array<i32>} : memref<6400xi32, #tpu.memory_space<vmem>>, vector<16xi32>,
    %get3A_259 = vector.shape_cast %get3A_258 : vector<16xi32> to vector<16xi32>
    %add3A_260 = arith.addi %get3A_256, %get3A_259 : vector<16xi32>
    %swap3A_261 = arith.constant 48 : index
    %swap3A_262 = tpu.vector_load %arg10[%swap3A_261] {strides = array<i32>} : memref<128xi32, #tpu.memory_space<vmem>>, vector<16xi32>,
    %swap3A_263 = vector.shape_cast %swap3A_262 : vector<16xi32> to vector<16xi32>
    %swap3A_264 = vector.shape_cast %add3A_260 : vector<16xi32> to vector<16xi32>
    tpu.vector_store %arg10[%swap3A_261], %swap3A_264 {strides = array<i32>} : memref<128xi32, #tpu.memory_space<vmem>>, vector<16xi32>,
    %get3A_265 = arith.constant 320 : index
    %get3A_266 = tpu.vector_load %arg6[%get3A_265] {strides = array<i32>} : memref<6400xi32, #tpu.memory_space<vmem>>, vector<16xi32>,
    %get3A_267 = vector.shape_cast %get3A_266 : vector<16xi32> to vector<16xi32>
    %get3A_268 = arith.constant 320 : index
    %get3A_269 = tpu.vector_load %arg7[%get3A_268] {strides = array<i32>} : memref<6400xi32, #tpu.memory_space<vmem>>, vector<16xi32>,
    %get3A_270 = vector.shape_cast %get3A_269 : vector<16xi32> to vector<16xi32>
    %add3A_271 = arith.addi %get3A_267, %get3A_270 : vector<16xi32>
    %swap3A_272 = arith.constant 64 : index
    %swap3A_273 = tpu.vector_load %arg10[%swap3A_272] {strides = array<i32>} : memref<128xi32, #tpu.memory_space<vmem>>, vector<16xi32>,
    %swap3A_274 = vector.shape_cast %swap3A_273 : vector<16xi32> to vector<16xi32>
    %swap3A_275 = vector.shape_cast %add3A_271 : vector<16xi32> to vector<16xi32>
    tpu.vector_store %arg10[%swap3A_272], %swap3A_275 {strides = array<i32>} : memref<128xi32, #tpu.memory_space<vmem>>, vector<16xi32>,
    %get3A_276 = arith.constant 336 : index
    %get3A_277 = tpu.vector_load %arg6[%get3A_276] {strides = array<i32>} : memref<6400xi32, #tpu.memory_space<vmem>>, vector<16xi32>,
    %get3A_278 = vector.shape_cast %get3A_277 : vector<16xi32> to vector<16xi32>
    %get3A_279 = arith.constant 336 : index
    %get3A_280 = tpu.vector_load %arg7[%get3A_279] {strides = array<i32>} : memref<6400xi32, #tpu.memory_space<vmem>>, vector<16xi32>,
    %get3A_281 = vector.shape_cast %get3A_280 : vector<16xi32> to vector<16xi32>
    %add3A_282 = arith.addi %get3A_278, %get3A_281 : vector<16xi32>
    %swap3A_283 = arith.constant 80 : index
    %swap3A_284 = tpu.vector_load %arg10[%swap3A_283] {strides = array<i32>} : memref<128xi32, #tpu.memory_space<vmem>>, vector<16xi32>,
    %swap3A_285 = vector.shape_cast %swap3A_284 : vector<16xi32> to vector<16xi32>
    %swap3A_286 = vector.shape_cast %add3A_282 : vector<16xi32> to vector<16xi32>
    tpu.vector_store %arg10[%swap3A_283], %swap3A_286 {strides = array<i32>} : memref<128xi32, #tpu.memory_space<vmem>>, vector<16xi32>,
    %get3A_287 = arith.constant 352 : index
    %get3A_288 = tpu.vector_load %arg6[%get3A_287] {strides = array<i32>} : memref<6400xi32, #tpu.memory_space<vmem>>, vector<16xi32>,
    %get3A_289 = vector.shape_cast %get3A_288 : vector<16xi32> to vector<16xi32>
    %get3A_290 = arith.constant 352 : index
    %get3A_291 = tpu.vector_load %arg7[%get3A_290] {strides = array<i32>} : memref<6400xi32, #tpu.memory_space<vmem>>, vector<16xi32>,
    %get3A_292 = vector.shape_cast %get3A_291 : vector<16xi32> to vector<16xi32>
    %add3A_293 = arith.addi %get3A_289, %get3A_292 : vector<16xi32>
    %swap3A_294 = arith.constant 96 : index
    %swap3A_295 = tpu.vector_load %arg10[%swap3A_294] {strides = array<i32>} : memref<128xi32, #tpu.memory_space<vmem>>, vector<16xi32>,
    %swap3A_296 = vector.shape_cast %swap3A_295 : vector<16xi32> to vector<16xi32>
    %swap3A_297 = vector.shape_cast %add3A_293 : vector<16xi32> to vector<16xi32>
    tpu.vector_store %arg10[%swap3A_294], %swap3A_297 {strides = array<i32>} : memref<128xi32, #tpu.memory_space<vmem>>, vector<16xi32>,
    %get3A_298 = arith.constant 368 : index
    %get3A_299 = tpu.vector_load %arg6[%get3A_298] {strides = array<i32>} : memref<6400xi32, #tpu.memory_space<vmem>>, vector<16xi32>,
    %get3A_300 = vector.shape_cast %get3A_299 : vector<16xi32> to vector<16xi32>
    %get3A_301 = arith.constant 368 : index
    %get3A_302 = tpu.vector_load %arg7[%get3A_301] {strides = array<i32>} : memref<6400xi32, #tpu.memory_space<vmem>>, vector<16xi32>,
    %get3A_303 = vector.shape_cast %get3A_302 : vector<16xi32> to vector<16xi32>
    %add3A_304 = arith.addi %get3A_300, %get3A_303 : vector<16xi32>
    %swap3A_305 = arith.constant 112 : index
    %swap3A_306 = tpu.vector_load %arg10[%swap3A_305] {strides = array<i32>} : memref<128xi32, #tpu.memory_space<vmem>>, vector<16xi32>,
    %swap3A_307 = vector.shape_cast %swap3A_306 : vector<16xi32> to vector<16xi32>
    %swap3A_308 = vector.shape_cast %add3A_304 : vector<16xi32> to vector<16xi32>
    tpu.vector_store %arg10[%swap3A_305], %swap3A_308 {strides = array<i32>} : memref<128xi32, #tpu.memory_space<vmem>>, vector<16xi32>,
    %dma_start3A_309 = arith.constant 0 : i32
    %dma_start3A_310 = arith.constant 0 : i32
    %dma_start3A_311 = tpu.memref_slice %arg2[%dma_start3A_309, %dma_start3A_310] : memref<200000x128xf32, #tpu.memory_space<hbm>> -> memref<200000x128xf32, #tpu.memory_space<hbm>>
    tpu.enqueue_indirect_dma source(%dma_start3A_311 : memref<200000x128xf32, #tpu.memory_space<hbm>>) target(%arg15 : memref<128x128xf32, #tpu.memory_space<vmem>>) offsets(%arg10 : memref<128xi32, #tpu.memory_space<vmem>>) semaphore(%arg20 : memref<!tpu.dma_semaphore, #tpu.memory_space<semaphore_mem>>)
    %get3A_312 = arith.constant 384 : index
    %get3A_313 = tpu.vector_load %arg6[%get3A_312] {strides = array<i32>} : memref<6400xi32, #tpu.memory_space<vmem>>, vector<16xi32>,
    %get3A_314 = vector.shape_cast %get3A_313 : vector<16xi32> to vector<16xi32>
    %get3A_315 = arith.constant 384 : index
    %get3A_316 = tpu.vector_load %arg7[%get3A_315] {strides = array<i32>} : memref<6400xi32, #tpu.memory_space<vmem>>, vector<16xi32>,
    %get3A_317 = vector.shape_cast %get3A_316 : vector<16xi32> to vector<16xi32>
    %add3A_318 = arith.addi %get3A_314, %get3A_317 : vector<16xi32>
    %swap3A_319 = arith.constant 0 : index
    %swap3A_320 = tpu.vector_load %arg11[%swap3A_319] {strides = array<i32>} : memref<128xi32, #tpu.memory_space<vmem>>, vector<16xi32>,
    %swap3A_321 = vector.shape_cast %swap3A_320 : vector<16xi32> to vector<16xi32>
    %swap3A_322 = vector.shape_cast %add3A_318 : vector<16xi32> to vector<16xi32>
    tpu.vector_store %arg11[%swap3A_319], %swap3A_322 {strides = array<i32>} : memref<128xi32, #tpu.memory_space<vmem>>, vector<16xi32>,
    %get3A_323 = arith.constant 400 : index
    %get3A_324 = tpu.vector_load %arg6[%get3A_323] {strides = array<i32>} : memref<6400xi32, #tpu.memory_space<vmem>>, vector<16xi32>,
    %get3A_325 = vector.shape_cast %get3A_324 : vector<16xi32> to vector<16xi32>
    %get3A_326 = arith.constant 400 : index
    %get3A_327 = tpu.vector_load %arg7[%get3A_326] {strides = array<i32>} : memref<6400xi32, #tpu.memory_space<vmem>>, vector<16xi32>,
    %get3A_328 = vector.shape_cast %get3A_327 : vector<16xi32> to vector<16xi32>
    %add3A_329 = arith.addi %get3A_325, %get3A_328 : vector<16xi32>
    %swap3A_330 = arith.constant 16 : index
    %swap3A_331 = tpu.vector_load %arg11[%swap3A_330] {strides = array<i32>} : memref<128xi32, #tpu.memory_space<vmem>>, vector<16xi32>,
    %swap3A_332 = vector.shape_cast %swap3A_331 : vector<16xi32> to vector<16xi32>
    %swap3A_333 = vector.shape_cast %add3A_329 : vector<16xi32> to vector<16xi32>
    tpu.vector_store %arg11[%swap3A_330], %swap3A_333 {strides = array<i32>} : memref<128xi32, #tpu.memory_space<vmem>>, vector<16xi32>,
    %get3A_334 = arith.constant 416 : index
    %get3A_335 = tpu.vector_load %arg6[%get3A_334] {strides = array<i32>} : memref<6400xi32, #tpu.memory_space<vmem>>, vector<16xi32>,
    %get3A_336 = vector.shape_cast %get3A_335 : vector<16xi32> to vector<16xi32>
    %get3A_337 = arith.constant 416 : index
    %get3A_338 = tpu.vector_load %arg7[%get3A_337] {strides = array<i32>} : memref<6400xi32, #tpu.memory_space<vmem>>, vector<16xi32>,
    %get3A_339 = vector.shape_cast %get3A_338 : vector<16xi32> to vector<16xi32>
    %add3A_340 = arith.addi %get3A_336, %get3A_339 : vector<16xi32>
    %swap3A_341 = arith.constant 32 : index
    %swap3A_342 = tpu.vector_load %arg11[%swap3A_341] {strides = array<i32>} : memref<128xi32, #tpu.memory_space<vmem>>, vector<16xi32>,
    %swap3A_343 = vector.shape_cast %swap3A_342 : vector<16xi32> to vector<16xi32>
    %swap3A_344 = vector.shape_cast %add3A_340 : vector<16xi32> to vector<16xi32>
    tpu.vector_store %arg11[%swap3A_341], %swap3A_344 {strides = array<i32>} : memref<128xi32, #tpu.memory_space<vmem>>, vector<16xi32>,
    %get3A_345 = arith.constant 432 : index
    %get3A_346 = tpu.vector_load %arg6[%get3A_345] {strides = array<i32>} : memref<6400xi32, #tpu.memory_space<vmem>>, vector<16xi32>,
    %get3A_347 = vector.shape_cast %get3A_346 : vector<16xi32> to vector<16xi32>
    %get3A_348 = arith.constant 432 : index
    %get3A_349 = tpu.vector_load %arg7[%get3A_348] {strides = array<i32>} : memref<6400xi32, #tpu.memory_space<vmem>>, vector<16xi32>,
    %get3A_350 = vector.shape_cast %get3A_349 : vector<16xi32> to vector<16xi32>
    %add3A_351 = arith.addi %get3A_347, %get3A_350 : vector<16xi32>
    %swap3A_352 = arith.constant 48 : index
    %swap3A_353 = tpu.vector_load %arg11[%swap3A_352] {strides = array<i32>} : memref<128xi32, #tpu.memory_space<vmem>>, vector<16xi32>,
    %swap3A_354 = vector.shape_cast %swap3A_353 : vector<16xi32> to vector<16xi32>
    %swap3A_355 = vector.shape_cast %add3A_351 : vector<16xi32> to vector<16xi32>
    tpu.vector_store %arg11[%swap3A_352], %swap3A_355 {strides = array<i32>} : memref<128xi32, #tpu.memory_space<vmem>>, vector<16xi32>,
    %get3A_356 = arith.constant 448 : index
    %get3A_357 = tpu.vector_load %arg6[%get3A_356] {strides = array<i32>} : memref<6400xi32, #tpu.memory_space<vmem>>, vector<16xi32>,
    %get3A_358 = vector.shape_cast %get3A_357 : vector<16xi32> to vector<16xi32>
    %get3A_359 = arith.constant 448 : index
    %get3A_360 = tpu.vector_load %arg7[%get3A_359] {strides = array<i32>} : memref<6400xi32, #tpu.memory_space<vmem>>, vector<16xi32>,
    %get3A_361 = vector.shape_cast %get3A_360 : vector<16xi32> to vector<16xi32>
    %add3A_362 = arith.addi %get3A_358, %get3A_361 : vector<16xi32>
    %swap3A_363 = arith.constant 64 : index
    %swap3A_364 = tpu.vector_load %arg11[%swap3A_363] {strides = array<i32>} : memref<128xi32, #tpu.memory_space<vmem>>, vector<16xi32>,
    %swap3A_365 = vector.shape_cast %swap3A_364 : vector<16xi32> to vector<16xi32>
    %swap3A_366 = vector.shape_cast %add3A_362 : vector<16xi32> to vector<16xi32>
    tpu.vector_store %arg11[%swap3A_363], %swap3A_366 {strides = array<i32>} : memref<128xi32, #tpu.memory_space<vmem>>, vector<16xi32>,
    %get3A_367 = arith.constant 464 : index
    %get3A_368 = tpu.vector_load %arg6[%get3A_367] {strides = array<i32>} : memref<6400xi32, #tpu.memory_space<vmem>>, vector<16xi32>,
    %get3A_369 = vector.shape_cast %get3A_368 : vector<16xi32> to vector<16xi32>
    %get3A_370 = arith.constant 464 : index
    %get3A_371 = tpu.vector_load %arg7[%get3A_370] {strides = array<i32>} : memref<6400xi32, #tpu.memory_space<vmem>>, vector<16xi32>,
    %get3A_372 = vector.shape_cast %get3A_371 : vector<16xi32> to vector<16xi32>
    %add3A_373 = arith.addi %get3A_369, %get3A_372 : vector<16xi32>
    %swap3A_374 = arith.constant 80 : index
    %swap3A_375 = tpu.vector_load %arg11[%swap3A_374] {strides = array<i32>} : memref<128xi32, #tpu.memory_space<vmem>>, vector<16xi32>,
    %swap3A_376 = vector.shape_cast %swap3A_375 : vector<16xi32> to vector<16xi32>
    %swap3A_377 = vector.shape_cast %add3A_373 : vector<16xi32> to vector<16xi32>
    tpu.vector_store %arg11[%swap3A_374], %swap3A_377 {strides = array<i32>} : memref<128xi32, #tpu.memory_space<vmem>>, vector<16xi32>,
    %get3A_378 = arith.constant 480 : index
    %get3A_379 = tpu.vector_load %arg6[%get3A_378] {strides = array<i32>} : memref<6400xi32, #tpu.memory_space<vmem>>, vector<16xi32>,
    %get3A_380 = vector.shape_cast %get3A_379 : vector<16xi32> to vector<16xi32>
    %get3A_381 = arith.constant 480 : index
    %get3A_382 = tpu.vector_load %arg7[%get3A_381] {strides = array<i32>} : memref<6400xi32, #tpu.memory_space<vmem>>, vector<16xi32>,
    %get3A_383 = vector.shape_cast %get3A_382 : vector<16xi32> to vector<16xi32>
    %add3A_384 = arith.addi %get3A_380, %get3A_383 : vector<16xi32>
    %swap3A_385 = arith.constant 96 : index
    %swap3A_386 = tpu.vector_load %arg11[%swap3A_385] {strides = array<i32>} : memref<128xi32, #tpu.memory_space<vmem>>, vector<16xi32>,
    %swap3A_387 = vector.shape_cast %swap3A_386 : vector<16xi32> to vector<16xi32>
    %swap3A_388 = vector.shape_cast %add3A_384 : vector<16xi32> to vector<16xi32>
    tpu.vector_store %arg11[%swap3A_385], %swap3A_388 {strides = array<i32>} : memref<128xi32, #tpu.memory_space<vmem>>, vector<16xi32>,
    %get3A_389 = arith.constant 496 : index
    %get3A_390 = tpu.vector_load %arg6[%get3A_389] {strides = array<i32>} : memref<6400xi32, #tpu.memory_space<vmem>>, vector<16xi32>,
    %get3A_391 = vector.shape_cast %get3A_390 : vector<16xi32> to vector<16xi32>
    %get3A_392 = arith.constant 496 : index
    %get3A_393 = tpu.vector_load %arg7[%get3A_392] {strides = array<i32>} : memref<6400xi32, #tpu.memory_space<vmem>>, vector<16xi32>,
    %get3A_394 = vector.shape_cast %get3A_393 : vector<16xi32> to vector<16xi32>
    %add3A_395 = arith.addi %get3A_391, %get3A_394 : vector<16xi32>
    %swap3A_396 = arith.constant 112 : index
    %swap3A_397 = tpu.vector_load %arg11[%swap3A_396] {strides = array<i32>} : memref<128xi32, #tpu.memory_space<vmem>>, vector<16xi32>,
    %swap3A_398 = vector.shape_cast %swap3A_397 : vector<16xi32> to vector<16xi32>
    %swap3A_399 = vector.shape_cast %add3A_395 : vector<16xi32> to vector<16xi32>
    tpu.vector_store %arg11[%swap3A_396], %swap3A_399 {strides = array<i32>} : memref<128xi32, #tpu.memory_space<vmem>>, vector<16xi32>,
    %dma_start3A_400 = arith.constant 0 : i32
    %dma_start3A_401 = arith.constant 0 : i32
    %dma_start3A_402 = tpu.memref_slice %arg2[%dma_start3A_400, %dma_start3A_401] : memref<200000x128xf32, #tpu.memory_space<hbm>> -> memref<200000x128xf32, #tpu.memory_space<hbm>>
    tpu.enqueue_indirect_dma source(%dma_start3A_402 : memref<200000x128xf32, #tpu.memory_space<hbm>>) target(%arg16 : memref<128x128xf32, #tpu.memory_space<vmem>>) offsets(%arg11 : memref<128xi32, #tpu.memory_space<vmem>>) semaphore(%arg21 : memref<!tpu.dma_semaphore, #tpu.memory_space<semaphore_mem>>)
    %dma_wait3A_403 = arith.constant 640 : i32
    %dma_wait3A_404 = tpu.memref_slice %arg6[%dma_wait3A_403] : memref<6400xi32, #tpu.memory_space<vmem>> -> memref<5760xi32, #tpu.memory_space<vmem>>
    %dma_wait3A_405 = tpu.memref_slice %arg3[%add3A_15] : memref<204800xi32, #tpu.memory_space<hbm>> -> memref<5760xi32, #tpu.memory_space<hbm>>
    %dma_wait3A_406 = arith.constant 640 : i32
    %dma_wait3A_407 = tpu.memref_slice %arg6[%dma_wait3A_406] : memref<6400xi32, #tpu.memory_space<vmem>> -> memref<5760xi32, #tpu.memory_space<vmem>>
    %dma_wait3A_408 = tpu.memref_slice %arg3[%add3A_15] : memref<204800xi32, #tpu.memory_space<hbm>> -> memref<5760xi32, #tpu.memory_space<hbm>>
    tpu.wait_dma2 semaphore(%arg23 : memref<!tpu.dma_semaphore, #tpu.memory_space<semaphore_mem>>) src(%dma_wait3A_408 : memref<5760xi32, #tpu.memory_space<hbm>>) dst(%dma_wait3A_407 : memref<5760xi32, #tpu.memory_space<vmem>>)
    %dma_wait3A_409 = arith.constant 640 : i32
    %dma_wait3A_410 = tpu.memref_slice %arg7[%dma_wait3A_409] : memref<6400xi32, #tpu.memory_space<vmem>> -> memref<5760xi32, #tpu.memory_space<vmem>>
    %dma_wait3A_411 = tpu.memref_slice %arg4[%add3A_23] : memref<204800xi32, #tpu.memory_space<hbm>> -> memref<5760xi32, #tpu.memory_space<hbm>>
    %dma_wait3A_412 = arith.constant 640 : i32
    %dma_wait3A_413 = tpu.memref_slice %arg7[%dma_wait3A_412] : memref<6400xi32, #tpu.memory_space<vmem>> -> memref<5760xi32, #tpu.memory_space<vmem>>
    %dma_wait3A_414 = tpu.memref_slice %arg4[%add3A_23] : memref<204800xi32, #tpu.memory_space<hbm>> -> memref<5760xi32, #tpu.memory_space<hbm>>
    tpu.wait_dma2 semaphore(%arg24 : memref<!tpu.dma_semaphore, #tpu.memory_space<semaphore_mem>>) src(%dma_wait3A_414 : memref<5760xi32, #tpu.memory_space<hbm>>) dst(%dma_wait3A_413 : memref<5760xi32, #tpu.memory_space<vmem>>)
    %scan3A = arith.constant 0 : i32
    %scan3A_415 = arith.constant 10 : i32
    %scan3A_416 = arith.addi %scan3A, %scan3A_415 : i32
    %scan3A_417 = arith.constant 1 : i32
    scf.for %scan3A_449 = %scan3A to %scan3A_416 step %scan3A_417  : i32 {
      %mul3A_450 = arith.constant 1 : i32
      %mul3A_451 = arith.muli %scan3A_449, %mul3A_450 : i32
      %add3A_452 = arith.constant 0 : i32
      %add3A_453 = arith.addi %add3A_452, %mul3A_451 : i32
      %mul3A_454 = arith.constant 5 : i32
      %mul3A_455 = arith.muli %add3A_453, %mul3A_454 : i32
      %add3A_456 = arith.constant 0 : i32
      %add3A_457 = arith.addi %mul3A_455, %add3A_456 : i32
      %add3A_458 = arith.constant 5 : i32
      %add3A_459 = arith.addi %add3A_457, %add3A_458 : i32
      %sub3A = arith.constant 1 : i32
      %sub3A_460 = arith.subi %add3A_459, %sub3A : i32
      %lt3A = arith.constant 50 : i32
      %lt3A_461 = arith.cmpi slt, %sub3A_460, %lt3A : i32
      %convert_element_type3A = arith.extui %lt3A_461 : i1 to i32
      %cond3A = arith.constant 0 : i32
      %cond3A_462 = arith.cmpi ne, %convert_element_type3A, %cond3A : i32
      scf.if %cond3A_462 {
        %ge3A = arith.constant 5 : i32
        %ge3A_565 = arith.cmpi sge, %sub3A_460, %ge3A : i32
        %convert_element_type3A_566 = arith.extui %ge3A_565 : i1 to i32
        %cond3A_567 = arith.constant 0 : i32
        %cond3A_568 = arith.cmpi ne, %convert_element_type3A_566, %cond3A_567 : i32
        scf.if %cond3A_568 {
          %sub3A_692 = arith.constant 5 : i32
          %sub3A_693 = arith.subi %sub3A_460, %sub3A_692 : i32
          %mul3A_694 = arith.constant 128 : i32
          %mul3A_695 = arith.muli %sub3A_693, %mul3A_694 : i32
          %add3A_696 = arith.addi %mul3A_2, %mul3A_695 : i32
          %dma_wait3A_697 = arith.constant 0 : i32
          %dma_wait3A_698 = tpu.memref_slice %arg5[%add3A_696, %dma_wait3A_697] : memref<204800x128xf32, #tpu.memory_space<hbm>> -> memref<128x128xf32, #tpu.memory_space<hbm>>
          %dma_wait3A_699 = arith.constant 0 : i32
          %dma_wait3A_700 = tpu.memref_slice %arg5[%add3A_696, %dma_wait3A_699] : memref<204800x128xf32, #tpu.memory_space<hbm>> -> memref<128x128xf32, #tpu.memory_space<hbm>>
          tpu.wait_dma2 semaphore(%arg27 : memref<!tpu.dma_semaphore, #tpu.memory_space<semaphore_mem>>) src(%arg17 : memref<128x128xf32, #tpu.memory_space<vmem>>) dst(%dma_wait3A_700 : memref<128x128xf32, #tpu.memory_space<hbm>>)
        } else {
        }
        %mul3A_569 = arith.constant 128 : i32
        %mul3A_570 = arith.muli %sub3A_460, %mul3A_569 : i32
        %add3A_571 = arith.constant 0 : i32
        %add3A_572 = arith.addi %mul3A_570, %add3A_571 : i32
        %get3A_573 = arith.index_cast %add3A_572 : i32 to index
        %get3A_574 = tpu.vector_load %arg6[%get3A_573] {strides = array<i32>} : memref<6400xi32, #tpu.memory_space<vmem>>, vector<16xi32>,
        %get3A_575 = vector.shape_cast %get3A_574 : vector<16xi32> to vector<16xi32>
        %get3A_576 = arith.index_cast %add3A_572 : i32 to index
        %get3A_577 = tpu.vector_load %arg7[%get3A_576] {strides = array<i32>} : memref<6400xi32, #tpu.memory_space<vmem>>, vector<16xi32>,
        %get3A_578 = vector.shape_cast %get3A_577 : vector<16xi32> to vector<16xi32>
        %add3A_579 = arith.addi %get3A_575, %get3A_578 : vector<16xi32>
        %swap3A_580 = arith.constant 0 : index
        %swap3A_581 = tpu.vector_load %arg12[%swap3A_580] {strides = array<i32>} : memref<128xi32, #tpu.memory_space<vmem>>, vector<16xi32>,
        %swap3A_582 = vector.shape_cast %swap3A_581 : vector<16xi32> to vector<16xi32>
        %swap3A_583 = vector.shape_cast %add3A_579 : vector<16xi32> to vector<16xi32>
        tpu.vector_store %arg12[%swap3A_580], %swap3A_583 {strides = array<i32>} : memref<128xi32, #tpu.memory_space<vmem>>, vector<16xi32>,
        %mul3A_584 = arith.constant 128 : i32
        %mul3A_585 = arith.muli %sub3A_460, %mul3A_584 : i32
        %add3A_586 = arith.constant 16 : i32
        %add3A_587 = arith.addi %mul3A_585, %add3A_586 : i32
        %get3A_588 = arith.index_cast %add3A_587 : i32 to index
        %get3A_589 = tpu.vector_load %arg6[%get3A_588] {strides = array<i32>} : memref<6400xi32, #tpu.memory_space<vmem>>, vector<16xi32>,
        %get3A_590 = vector.shape_cast %get3A_589 : vector<16xi32> to vector<16xi32>
        %get3A_591 = arith.index_cast %add3A_587 : i32 to index
        %get3A_592 = tpu.vector_load %arg7[%get3A_591] {strides = array<i32>} : memref<6400xi32, #tpu.memory_space<vmem>>, vector<16xi32>,
        %get3A_593 = vector.shape_cast %get3A_592 : vector<16xi32> to vector<16xi32>
        %add3A_594 = arith.addi %get3A_590, %get3A_593 : vector<16xi32>
        %swap3A_595 = arith.constant 16 : index
        %swap3A_596 = tpu.vector_load %arg12[%swap3A_595] {strides = array<i32>} : memref<128xi32, #tpu.memory_space<vmem>>, vector<16xi32>,
        %swap3A_597 = vector.shape_cast %swap3A_596 : vector<16xi32> to vector<16xi32>
        %swap3A_598 = vector.shape_cast %add3A_594 : vector<16xi32> to vector<16xi32>
        tpu.vector_store %arg12[%swap3A_595], %swap3A_598 {strides = array<i32>} : memref<128xi32, #tpu.memory_space<vmem>>, vector<16xi32>,
        %mul3A_599 = arith.constant 128 : i32
        %mul3A_600 = arith.muli %sub3A_460, %mul3A_599 : i32
        %add3A_601 = arith.constant 32 : i32
        %add3A_602 = arith.addi %mul3A_600, %add3A_601 : i32
        %get3A_603 = arith.index_cast %add3A_602 : i32 to index
        %get3A_604 = tpu.vector_load %arg6[%get3A_603] {strides = array<i32>} : memref<6400xi32, #tpu.memory_space<vmem>>, vector<16xi32>,
        %get3A_605 = vector.shape_cast %get3A_604 : vector<16xi32> to vector<16xi32>
        %get3A_606 = arith.index_cast %add3A_602 : i32 to index
        %get3A_607 = tpu.vector_load %arg7[%get3A_606] {strides = array<i32>} : memref<6400xi32, #tpu.memory_space<vmem>>, vector<16xi32>,
        %get3A_608 = vector.shape_cast %get3A_607 : vector<16xi32> to vector<16xi32>
        %add3A_609 = arith.addi %get3A_605, %get3A_608 : vector<16xi32>
        %swap3A_610 = arith.constant 32 : index
        %swap3A_611 = tpu.vector_load %arg12[%swap3A_610] {strides = array<i32>} : memref<128xi32, #tpu.memory_space<vmem>>, vector<16xi32>,
        %swap3A_612 = vector.shape_cast %swap3A_611 : vector<16xi32> to vector<16xi32>
        %swap3A_613 = vector.shape_cast %add3A_609 : vector<16xi32> to vector<16xi32>
        tpu.vector_store %arg12[%swap3A_610], %swap3A_613 {strides = array<i32>} : memref<128xi32, #tpu.memory_space<vmem>>, vector<16xi32>,
        %mul3A_614 = arith.constant 128 : i32
        %mul3A_615 = arith.muli %sub3A_460, %mul3A_614 : i32
        %add3A_616 = arith.constant 48 : i32
        %add3A_617 = arith.addi %mul3A_615, %add3A_616 : i32
        %get3A_618 = arith.index_cast %add3A_617 : i32 to index
        %get3A_619 = tpu.vector_load %arg6[%get3A_618] {strides = array<i32>} : memref<6400xi32, #tpu.memory_space<vmem>>, vector<16xi32>,
        %get3A_620 = vector.shape_cast %get3A_619 : vector<16xi32> to vector<16xi32>
        %get3A_621 = arith.index_cast %add3A_617 : i32 to index
        %get3A_622 = tpu.vector_load %arg7[%get3A_621] {strides = array<i32>} : memref<6400xi32, #tpu.memory_space<vmem>>, vector<16xi32>,
        %get3A_623 = vector.shape_cast %get3A_622 : vector<16xi32> to vector<16xi32>
        %add3A_624 = arith.addi %get3A_620, %get3A_623 : vector<16xi32>
        %swap3A_625 = arith.constant 48 : index
        %swap3A_626 = tpu.vector_load %arg12[%swap3A_625] {strides = array<i32>} : memref<128xi32, #tpu.memory_space<vmem>>, vector<16xi32>,
        %swap3A_627 = vector.shape_cast %swap3A_626 : vector<16xi32> to vector<16xi32>
        %swap3A_628 = vector.shape_cast %add3A_624 : vector<16xi32> to vector<16xi32>
        tpu.vector_store %arg12[%swap3A_625], %swap3A_628 {strides = array<i32>} : memref<128xi32, #tpu.memory_space<vmem>>, vector<16xi32>,
        %mul3A_629 = arith.constant 128 : i32
        %mul3A_630 = arith.muli %sub3A_460, %mul3A_629 : i32
        %add3A_631 = arith.constant 64 : i32
        %add3A_632 = arith.addi %mul3A_630, %add3A_631 : i32
        %get3A_633 = arith.index_cast %add3A_632 : i32 to index
        %get3A_634 = tpu.vector_load %arg6[%get3A_633] {strides = array<i32>} : memref<6400xi32, #tpu.memory_space<vmem>>, vector<16xi32>,
        %get3A_635 = vector.shape_cast %get3A_634 : vector<16xi32> to vector<16xi32>
        %get3A_636 = arith.index_cast %add3A_632 : i32 to index
        %get3A_637 = tpu.vector_load %arg7[%get3A_636] {strides = array<i32>} : memref<6400xi32, #tpu.memory_space<vmem>>, vector<16xi32>,
        %get3A_638 = vector.shape_cast %get3A_637 : vector<16xi32> to vector<16xi32>
        %add3A_639 = arith.addi %get3A_635, %get3A_638 : vector<16xi32>
        %swap3A_640 = arith.constant 64 : index
        %swap3A_641 = tpu.vector_load %arg12[%swap3A_640] {strides = array<i32>} : memref<128xi32, #tpu.memory_space<vmem>>, vector<16xi32>,
        %swap3A_642 = vector.shape_cast %swap3A_641 : vector<16xi32> to vector<16xi32>
        %swap3A_643 = vector.shape_cast %add3A_639 : vector<16xi32> to vector<16xi32>
        tpu.vector_store %arg12[%swap3A_640], %swap3A_643 {strides = array<i32>} : memref<128xi32, #tpu.memory_space<vmem>>, vector<16xi32>,
        %mul3A_644 = arith.constant 128 : i32
        %mul3A_645 = arith.muli %sub3A_460, %mul3A_644 : i32
        %add3A_646 = arith.constant 80 : i32
        %add3A_647 = arith.addi %mul3A_645, %add3A_646 : i32
        %get3A_648 = arith.index_cast %add3A_647 : i32 to index
        %get3A_649 = tpu.vector_load %arg6[%get3A_648] {strides = array<i32>} : memref<6400xi32, #tpu.memory_space<vmem>>, vector<16xi32>,
        %get3A_650 = vector.shape_cast %get3A_649 : vector<16xi32> to vector<16xi32>
        %get3A_651 = arith.index_cast %add3A_647 : i32 to index
        %get3A_652 = tpu.vector_load %arg7[%get3A_651] {strides = array<i32>} : memref<6400xi32, #tpu.memory_space<vmem>>, vector<16xi32>,
        %get3A_653 = vector.shape_cast %get3A_652 : vector<16xi32> to vector<16xi32>
        %add3A_654 = arith.addi %get3A_650, %get3A_653 : vector<16xi32>
        %swap3A_655 = arith.constant 80 : index
        %swap3A_656 = tpu.vector_load %arg12[%swap3A_655] {strides = array<i32>} : memref<128xi32, #tpu.memory_space<vmem>>, vector<16xi32>,
        %swap3A_657 = vector.shape_cast %swap3A_656 : vector<16xi32> to vector<16xi32>
        %swap3A_658 = vector.shape_cast %add3A_654 : vector<16xi32> to vector<16xi32>
        tpu.vector_store %arg12[%swap3A_655], %swap3A_658 {strides = array<i32>} : memref<128xi32, #tpu.memory_space<vmem>>, vector<16xi32>,
        %mul3A_659 = arith.constant 128 : i32
        %mul3A_660 = arith.muli %sub3A_460, %mul3A_659 : i32
        %add3A_661 = arith.constant 96 : i32
        %add3A_662 = arith.addi %mul3A_660, %add3A_661 : i32
        %get3A_663 = arith.index_cast %add3A_662 : i32 to index
        %get3A_664 = tpu.vector_load %arg6[%get3A_663] {strides = array<i32>} : memref<6400xi32, #tpu.memory_space<vmem>>, vector<16xi32>,
        %get3A_665 = vector.shape_cast %get3A_664 : vector<16xi32> to vector<16xi32>
        %get3A_666 = arith.index_cast %add3A_662 : i32 to index
        %get3A_667 = tpu.vector_load %arg7[%get3A_666] {strides = array<i32>} : memref<6400xi32, #tpu.memory_space<vmem>>, vector<16xi32>,
        %get3A_668 = vector.shape_cast %get3A_667 : vector<16xi32> to vector<16xi32>
        %add3A_669 = arith.addi %get3A_665, %get3A_668 : vector<16xi32>
        %swap3A_670 = arith.constant 96 : index
        %swap3A_671 = tpu.vector_load %arg12[%swap3A_670] {strides = array<i32>} : memref<128xi32, #tpu.memory_space<vmem>>, vector<16xi32>,
        %swap3A_672 = vector.shape_cast %swap3A_671 : vector<16xi32> to vector<16xi32>
        %swap3A_673 = vector.shape_cast %add3A_669 : vector<16xi32> to vector<16xi32>
        tpu.vector_store %arg12[%swap3A_670], %swap3A_673 {strides = array<i32>} : memref<128xi32, #tpu.memory_space<vmem>>, vector<16xi32>,
        %mul3A_674 = arith.constant 128 : i32
        %mul3A_675 = arith.muli %sub3A_460, %mul3A_674 : i32
        %add3A_676 = arith.constant 112 : i32
        %add3A_677 = arith.addi %mul3A_675, %add3A_676 : i32
        %get3A_678 = arith.index_cast %add3A_677 : i32 to index
        %get3A_679 = tpu.vector_load %arg6[%get3A_678] {strides = array<i32>} : memref<6400xi32, #tpu.memory_space<vmem>>, vector<16xi32>,
        %get3A_680 = vector.shape_cast %get3A_679 : vector<16xi32> to vector<16xi32>
        %get3A_681 = arith.index_cast %add3A_677 : i32 to index
        %get3A_682 = tpu.vector_load %arg7[%get3A_681] {strides = array<i32>} : memref<6400xi32, #tpu.memory_space<vmem>>, vector<16xi32>,
        %get3A_683 = vector.shape_cast %get3A_682 : vector<16xi32> to vector<16xi32>
        %add3A_684 = arith.addi %get3A_680, %get3A_683 : vector<16xi32>
        %swap3A_685 = arith.constant 112 : index
        %swap3A_686 = tpu.vector_load %arg12[%swap3A_685] {strides = array<i32>} : memref<128xi32, #tpu.memory_space<vmem>>, vector<16xi32>,
        %swap3A_687 = vector.shape_cast %swap3A_686 : vector<16xi32> to vector<16xi32>
        %swap3A_688 = vector.shape_cast %add3A_684 : vector<16xi32> to vector<16xi32>
        tpu.vector_store %arg12[%swap3A_685], %swap3A_688 {strides = array<i32>} : memref<128xi32, #tpu.memory_space<vmem>>, vector<16xi32>,
        %dma_start3A_689 = arith.constant 0 : i32
        %dma_start3A_690 = arith.constant 0 : i32
        %dma_start3A_691 = tpu.memref_slice %arg2[%dma_start3A_689, %dma_start3A_690] : memref<200000x128xf32, #tpu.memory_space<hbm>> -> memref<200000x128xf32, #tpu.memory_space<hbm>>
        tpu.enqueue_indirect_dma source(%dma_start3A_691 : memref<200000x128xf32, #tpu.memory_space<hbm>>) target(%arg17 : memref<128x128xf32, #tpu.memory_space<vmem>>) offsets(%arg12 : memref<128xi32, #tpu.memory_space<vmem>>) semaphore(%arg22 : memref<!tpu.dma_semaphore, #tpu.memory_space<semaphore_mem>>)
      } else {
      }
      %dma_wait3A_463 = arith.constant 0 : i32
      %dma_wait3A_464 = arith.constant 0 : i32
      %dma_wait3A_465 = tpu.memref_slice %arg2[%dma_wait3A_463, %dma_wait3A_464] : memref<200000x128xf32, #tpu.memory_space<hbm>> -> memref<200000x128xf32, #tpu.memory_space<hbm>>
      tpu.wait_indirect_dma semaphore(%arg18 : memref<!tpu.dma_semaphore, #tpu.memory_space<semaphore_mem>>) src(%dma_wait3A_465 : memref<200000x128xf32, #tpu.memory_space<hbm>>) dst(%arg13 : memref<128x128xf32, #tpu.memory_space<vmem>>)
      %mul3A_466 = arith.constant 128 : i32
      %mul3A_467 = arith.muli %add3A_457, %mul3A_466 : i32
      %add3A_468 = arith.addi %mul3A_2, %mul3A_467 : i32
      %dma_start3A_469 = arith.constant 0 : i32
      %dma_start3A_470 = tpu.memref_slice %arg5[%add3A_468, %dma_start3A_469] : memref<204800x128xf32, #tpu.memory_space<hbm>> -> memref<128x128xf32, #tpu.memory_space<hbm>>
      %dma_start3A_471 = arith.constant 0 : i32
      %dma_start3A_472 = tpu.memref_slice %arg5[%add3A_468, %dma_start3A_471] : memref<204800x128xf32, #tpu.memory_space<hbm>> -> memref<128x128xf32, #tpu.memory_space<hbm>>
      tpu.enqueue_dma source(%arg13 : memref<128x128xf32, #tpu.memory_space<vmem>>) target(%dma_start3A_472 : memref<128x128xf32, #tpu.memory_space<hbm>>) target_semaphore(%arg23 : memref<!tpu.dma_semaphore, #tpu.memory_space<semaphore_mem>>)
      %mul3A_473 = arith.constant 5 : i32
      %mul3A_474 = arith.muli %add3A_453, %mul3A_473 : i32
      %add3A_475 = arith.constant 1 : i32
      %add3A_476 = arith.addi %mul3A_474, %add3A_475 : i32
      %add3A_477 = arith.constant 5 : i32
      %add3A_478 = arith.addi %add3A_476, %add3A_477 : i32
      %sub3A_479 = arith.constant 1 : i32
      %sub3A_480 = arith.subi %add3A_478, %sub3A_479 : i32
      %lt3A_481 = arith.constant 50 : i32
      %lt3A_482 = arith.cmpi slt, %sub3A_480, %lt3A_481 : i32
      %convert_element_type3A_483 = arith.extui %lt3A_482 : i1 to i32
      %cond3A_484 = arith.constant 0 : i32
      %cond3A_485 = arith.cmpi ne, %convert_element_type3A_483, %cond3A_484 : i32
      scf.if %cond3A_485 {
        %ge3A = arith.constant 5 : i32
        %ge3A_565 = arith.cmpi sge, %sub3A_480, %ge3A : i32
        %convert_element_type3A_566 = arith.extui %ge3A_565 : i1 to i32
        %cond3A_567 = arith.constant 0 : i32
        %cond3A_568 = arith.cmpi ne, %convert_element_type3A_566, %cond3A_567 : i32
        scf.if %cond3A_568 {
          %sub3A_692 = arith.constant 5 : i32
          %sub3A_693 = arith.subi %sub3A_480, %sub3A_692 : i32
          %mul3A_694 = arith.constant 128 : i32
          %mul3A_695 = arith.muli %sub3A_693, %mul3A_694 : i32
          %add3A_696 = arith.addi %mul3A_2, %mul3A_695 : i32
          %dma_wait3A_697 = arith.constant 0 : i32
          %dma_wait3A_698 = tpu.memref_slice %arg5[%add3A_696, %dma_wait3A_697] : memref<204800x128xf32, #tpu.memory_space<hbm>> -> memref<128x128xf32, #tpu.memory_space<hbm>>
          %dma_wait3A_699 = arith.constant 0 : i32
          %dma_wait3A_700 = tpu.memref_slice %arg5[%add3A_696, %dma_wait3A_699] : memref<204800x128xf32, #tpu.memory_space<hbm>> -> memref<128x128xf32, #tpu.memory_space<hbm>>
          tpu.wait_dma2 semaphore(%arg23 : memref<!tpu.dma_semaphore, #tpu.memory_space<semaphore_mem>>) src(%arg13 : memref<128x128xf32, #tpu.memory_space<vmem>>) dst(%dma_wait3A_700 : memref<128x128xf32, #tpu.memory_space<hbm>>)
        } else {
        }
        %mul3A_569 = arith.constant 128 : i32
        %mul3A_570 = arith.muli %sub3A_480, %mul3A_569 : i32
        %add3A_571 = arith.constant 0 : i32
        %add3A_572 = arith.addi %mul3A_570, %add3A_571 : i32
        %get3A_573 = arith.index_cast %add3A_572 : i32 to index
        %get3A_574 = tpu.vector_load %arg6[%get3A_573] {strides = array<i32>} : memref<6400xi32, #tpu.memory_space<vmem>>, vector<16xi32>,
        %get3A_575 = vector.shape_cast %get3A_574 : vector<16xi32> to vector<16xi32>
        %get3A_576 = arith.index_cast %add3A_572 : i32 to index
        %get3A_577 = tpu.vector_load %arg7[%get3A_576] {strides = array<i32>} : memref<6400xi32, #tpu.memory_space<vmem>>, vector<16xi32>,
        %get3A_578 = vector.shape_cast %get3A_577 : vector<16xi32> to vector<16xi32>
        %add3A_579 = arith.addi %get3A_575, %get3A_578 : vector<16xi32>
        %swap3A_580 = arith.constant 0 : index
        %swap3A_581 = tpu.vector_load %arg8[%swap3A_580] {strides = array<i32>} : memref<128xi32, #tpu.memory_space<vmem>>, vector<16xi32>,
        %swap3A_582 = vector.shape_cast %swap3A_581 : vector<16xi32> to vector<16xi32>
        %swap3A_583 = vector.shape_cast %add3A_579 : vector<16xi32> to vector<16xi32>
        tpu.vector_store %arg8[%swap3A_580], %swap3A_583 {strides = array<i32>} : memref<128xi32, #tpu.memory_space<vmem>>, vector<16xi32>,
        %mul3A_584 = arith.constant 128 : i32
        %mul3A_585 = arith.muli %sub3A_480, %mul3A_584 : i32
        %add3A_586 = arith.constant 16 : i32
        %add3A_587 = arith.addi %mul3A_585, %add3A_586 : i32
        %get3A_588 = arith.index_cast %add3A_587 : i32 to index
        %get3A_589 = tpu.vector_load %arg6[%get3A_588] {strides = array<i32>} : memref<6400xi32, #tpu.memory_space<vmem>>, vector<16xi32>,
        %get3A_590 = vector.shape_cast %get3A_589 : vector<16xi32> to vector<16xi32>
        %get3A_591 = arith.index_cast %add3A_587 : i32 to index
        %get3A_592 = tpu.vector_load %arg7[%get3A_591] {strides = array<i32>} : memref<6400xi32, #tpu.memory_space<vmem>>, vector<16xi32>,
        %get3A_593 = vector.shape_cast %get3A_592 : vector<16xi32> to vector<16xi32>
        %add3A_594 = arith.addi %get3A_590, %get3A_593 : vector<16xi32>
        %swap3A_595 = arith.constant 16 : index
        %swap3A_596 = tpu.vector_load %arg8[%swap3A_595] {strides = array<i32>} : memref<128xi32, #tpu.memory_space<vmem>>, vector<16xi32>,
        %swap3A_597 = vector.shape_cast %swap3A_596 : vector<16xi32> to vector<16xi32>
        %swap3A_598 = vector.shape_cast %add3A_594 : vector<16xi32> to vector<16xi32>
        tpu.vector_store %arg8[%swap3A_595], %swap3A_598 {strides = array<i32>} : memref<128xi32, #tpu.memory_space<vmem>>, vector<16xi32>,
        %mul3A_599 = arith.constant 128 : i32
        %mul3A_600 = arith.muli %sub3A_480, %mul3A_599 : i32
        %add3A_601 = arith.constant 32 : i32
        %add3A_602 = arith.addi %mul3A_600, %add3A_601 : i32
        %get3A_603 = arith.index_cast %add3A_602 : i32 to index
        %get3A_604 = tpu.vector_load %arg6[%get3A_603] {strides = array<i32>} : memref<6400xi32, #tpu.memory_space<vmem>>, vector<16xi32>,
        %get3A_605 = vector.shape_cast %get3A_604 : vector<16xi32> to vector<16xi32>
        %get3A_606 = arith.index_cast %add3A_602 : i32 to index
        %get3A_607 = tpu.vector_load %arg7[%get3A_606] {strides = array<i32>} : memref<6400xi32, #tpu.memory_space<vmem>>, vector<16xi32>,
        %get3A_608 = vector.shape_cast %get3A_607 : vector<16xi32> to vector<16xi32>
        %add3A_609 = arith.addi %get3A_605, %get3A_608 : vector<16xi32>
        %swap3A_610 = arith.constant 32 : index
        %swap3A_611 = tpu.vector_load %arg8[%swap3A_610] {strides = array<i32>} : memref<128xi32, #tpu.memory_space<vmem>>, vector<16xi32>,
        %swap3A_612 = vector.shape_cast %swap3A_611 : vector<16xi32> to vector<16xi32>
        %swap3A_613 = vector.shape_cast %add3A_609 : vector<16xi32> to vector<16xi32>
        tpu.vector_store %arg8[%swap3A_610], %swap3A_613 {strides = array<i32>} : memref<128xi32, #tpu.memory_space<vmem>>, vector<16xi32>,
        %mul3A_614 = arith.constant 128 : i32
        %mul3A_615 = arith.muli %sub3A_480, %mul3A_614 : i32
        %add3A_616 = arith.constant 48 : i32
        %add3A_617 = arith.addi %mul3A_615, %add3A_616 : i32
        %get3A_618 = arith.index_cast %add3A_617 : i32 to index
        %get3A_619 = tpu.vector_load %arg6[%get3A_618] {strides = array<i32>} : memref<6400xi32, #tpu.memory_space<vmem>>, vector<16xi32>,
        %get3A_620 = vector.shape_cast %get3A_619 : vector<16xi32> to vector<16xi32>
        %get3A_621 = arith.index_cast %add3A_617 : i32 to index
        %get3A_622 = tpu.vector_load %arg7[%get3A_621] {strides = array<i32>} : memref<6400xi32, #tpu.memory_space<vmem>>, vector<16xi32>,
        %get3A_623 = vector.shape_cast %get3A_622 : vector<16xi32> to vector<16xi32>
        %add3A_624 = arith.addi %get3A_620, %get3A_623 : vector<16xi32>
        %swap3A_625 = arith.constant 48 : index
        %swap3A_626 = tpu.vector_load %arg8[%swap3A_625] {strides = array<i32>} : memref<128xi32, #tpu.memory_space<vmem>>, vector<16xi32>,
        %swap3A_627 = vector.shape_cast %swap3A_626 : vector<16xi32> to vector<16xi32>
        %swap3A_628 = vector.shape_cast %add3A_624 : vector<16xi32> to vector<16xi32>
        tpu.vector_store %arg8[%swap3A_625], %swap3A_628 {strides = array<i32>} : memref<128xi32, #tpu.memory_space<vmem>>, vector<16xi32>,
        %mul3A_629 = arith.constant 128 : i32
        %mul3A_630 = arith.muli %sub3A_480, %mul3A_629 : i32
        %add3A_631 = arith.constant 64 : i32
        %add3A_632 = arith.addi %mul3A_630, %add3A_631 : i32
        %get3A_633 = arith.index_cast %add3A_632 : i32 to index
        %get3A_634 = tpu.vector_load %arg6[%get3A_633] {strides = array<i32>} : memref<6400xi32, #tpu.memory_space<vmem>>, vector<16xi32>,
        %get3A_635 = vector.shape_cast %get3A_634 : vector<16xi32> to vector<16xi32>
        %get3A_636 = arith.index_cast %add3A_632 : i32 to index
        %get3A_637 = tpu.vector_load %arg7[%get3A_636] {strides = array<i32>} : memref<6400xi32, #tpu.memory_space<vmem>>, vector<16xi32>,
        %get3A_638 = vector.shape_cast %get3A_637 : vector<16xi32> to vector<16xi32>
        %add3A_639 = arith.addi %get3A_635, %get3A_638 : vector<16xi32>
        %swap3A_640 = arith.constant 64 : index
        %swap3A_641 = tpu.vector_load %arg8[%swap3A_640] {strides = array<i32>} : memref<128xi32, #tpu.memory_space<vmem>>, vector<16xi32>,
        %swap3A_642 = vector.shape_cast %swap3A_641 : vector<16xi32> to vector<16xi32>
        %swap3A_643 = vector.shape_cast %add3A_639 : vector<16xi32> to vector<16xi32>
        tpu.vector_store %arg8[%swap3A_640], %swap3A_643 {strides = array<i32>} : memref<128xi32, #tpu.memory_space<vmem>>, vector<16xi32>,
        %mul3A_644 = arith.constant 128 : i32
        %mul3A_645 = arith.muli %sub3A_480, %mul3A_644 : i32
        %add3A_646 = arith.constant 80 : i32
        %add3A_647 = arith.addi %mul3A_645, %add3A_646 : i32
        %get3A_648 = arith.index_cast %add3A_647 : i32 to index
        %get3A_649 = tpu.vector_load %arg6[%get3A_648] {strides = array<i32>} : memref<6400xi32, #tpu.memory_space<vmem>>, vector<16xi32>,
        %get3A_650 = vector.shape_cast %get3A_649 : vector<16xi32> to vector<16xi32>
        %get3A_651 = arith.index_cast %add3A_647 : i32 to index
        %get3A_652 = tpu.vector_load %arg7[%get3A_651] {strides = array<i32>} : memref<6400xi32, #tpu.memory_space<vmem>>, vector<16xi32>,
        %get3A_653 = vector.shape_cast %get3A_652 : vector<16xi32> to vector<16xi32>
        %add3A_654 = arith.addi %get3A_650, %get3A_653 : vector<16xi32>
        %swap3A_655 = arith.constant 80 : index
        %swap3A_656 = tpu.vector_load %arg8[%swap3A_655] {strides = array<i32>} : memref<128xi32, #tpu.memory_space<vmem>>, vector<16xi32>,
        %swap3A_657 = vector.shape_cast %swap3A_656 : vector<16xi32> to vector<16xi32>
        %swap3A_658 = vector.shape_cast %add3A_654 : vector<16xi32> to vector<16xi32>
        tpu.vector_store %arg8[%swap3A_655], %swap3A_658 {strides = array<i32>} : memref<128xi32, #tpu.memory_space<vmem>>, vector<16xi32>,
        %mul3A_659 = arith.constant 128 : i32
        %mul3A_660 = arith.muli %sub3A_480, %mul3A_659 : i32
        %add3A_661 = arith.constant 96 : i32
        %add3A_662 = arith.addi %mul3A_660, %add3A_661 : i32
        %get3A_663 = arith.index_cast %add3A_662 : i32 to index
        %get3A_664 = tpu.vector_load %arg6[%get3A_663] {strides = array<i32>} : memref<6400xi32, #tpu.memory_space<vmem>>, vector<16xi32>,
        %get3A_665 = vector.shape_cast %get3A_664 : vector<16xi32> to vector<16xi32>
        %get3A_666 = arith.index_cast %add3A_662 : i32 to index
        %get3A_667 = tpu.vector_load %arg7[%get3A_666] {strides = array<i32>} : memref<6400xi32, #tpu.memory_space<vmem>>, vector<16xi32>,
        %get3A_668 = vector.shape_cast %get3A_667 : vector<16xi32> to vector<16xi32>
        %add3A_669 = arith.addi %get3A_665, %get3A_668 : vector<16xi32>
        %swap3A_670 = arith.constant 96 : index
        %swap3A_671 = tpu.vector_load %arg8[%swap3A_670] {strides = array<i32>} : memref<128xi32, #tpu.memory_space<vmem>>, vector<16xi32>,
        %swap3A_672 = vector.shape_cast %swap3A_671 : vector<16xi32> to vector<16xi32>
        %swap3A_673 = vector.shape_cast %add3A_669 : vector<16xi32> to vector<16xi32>
        tpu.vector_store %arg8[%swap3A_670], %swap3A_673 {strides = array<i32>} : memref<128xi32, #tpu.memory_space<vmem>>, vector<16xi32>,
        %mul3A_674 = arith.constant 128 : i32
        %mul3A_675 = arith.muli %sub3A_480, %mul3A_674 : i32
        %add3A_676 = arith.constant 112 : i32
        %add3A_677 = arith.addi %mul3A_675, %add3A_676 : i32
        %get3A_678 = arith.index_cast %add3A_677 : i32 to index
        %get3A_679 = tpu.vector_load %arg6[%get3A_678] {strides = array<i32>} : memref<6400xi32, #tpu.memory_space<vmem>>, vector<16xi32>,
        %get3A_680 = vector.shape_cast %get3A_679 : vector<16xi32> to vector<16xi32>
        %get3A_681 = arith.index_cast %add3A_677 : i32 to index
        %get3A_682 = tpu.vector_load %arg7[%get3A_681] {strides = array<i32>} : memref<6400xi32, #tpu.memory_space<vmem>>, vector<16xi32>,
        %get3A_683 = vector.shape_cast %get3A_682 : vector<16xi32> to vector<16xi32>
        %add3A_684 = arith.addi %get3A_680, %get3A_683 : vector<16xi32>
        %swap3A_685 = arith.constant 112 : index
        %swap3A_686 = tpu.vector_load %arg8[%swap3A_685] {strides = array<i32>} : memref<128xi32, #tpu.memory_space<vmem>>, vector<16xi32>,
        %swap3A_687 = vector.shape_cast %swap3A_686 : vector<16xi32> to vector<16xi32>
        %swap3A_688 = vector.shape_cast %add3A_684 : vector<16xi32> to vector<16xi32>
        tpu.vector_store %arg8[%swap3A_685], %swap3A_688 {strides = array<i32>} : memref<128xi32, #tpu.memory_space<vmem>>, vector<16xi32>,
        %dma_start3A_689 = arith.constant 0 : i32
        %dma_start3A_690 = arith.constant 0 : i32
        %dma_start3A_691 = tpu.memref_slice %arg2[%dma_start3A_689, %dma_start3A_690] : memref<200000x128xf32, #tpu.memory_space<hbm>> -> memref<200000x128xf32, #tpu.memory_space<hbm>>
        tpu.enqueue_indirect_dma source(%dma_start3A_691 : memref<200000x128xf32, #tpu.memory_space<hbm>>) target(%arg13 : memref<128x128xf32, #tpu.memory_space<vmem>>) offsets(%arg8 : memref<128xi32, #tpu.memory_space<vmem>>) semaphore(%arg18 : memref<!tpu.dma_semaphore, #tpu.memory_space<semaphore_mem>>)
      } else {
      }
      %dma_wait3A_486 = arith.constant 0 : i32
      %dma_wait3A_487 = arith.constant 0 : i32
      %dma_wait3A_488 = tpu.memref_slice %arg2[%dma_wait3A_486, %dma_wait3A_487] : memref<200000x128xf32, #tpu.memory_space<hbm>> -> memref<200000x128xf32, #tpu.memory_space<hbm>>
      tpu.wait_indirect_dma semaphore(%arg19 : memref<!tpu.dma_semaphore, #tpu.memory_space<semaphore_mem>>) src(%dma_wait3A_488 : memref<200000x128xf32, #tpu.memory_space<hbm>>) dst(%arg14 : memref<128x128xf32, #tpu.memory_space<vmem>>)
      %mul3A_489 = arith.constant 128 : i32
      %mul3A_490 = arith.muli %add3A_476, %mul3A_489 : i32
      %add3A_491 = arith.addi %mul3A_2, %mul3A_490 : i32
      %dma_start3A_492 = arith.constant 0 : i32
      %dma_start3A_493 = tpu.memref_slice %arg5[%add3A_491, %dma_start3A_492] : memref<204800x128xf32, #tpu.memory_space<hbm>> -> memref<128x128xf32, #tpu.memory_space<hbm>>
      %dma_start3A_494 = arith.constant 0 : i32
      %dma_start3A_495 = tpu.memref_slice %arg5[%add3A_491, %dma_start3A_494] : memref<204800x128xf32, #tpu.memory_space<hbm>> -> memref<128x128xf32, #tpu.memory_space<hbm>>
      tpu.enqueue_dma source(%arg14 : memref<128x128xf32, #tpu.memory_space<vmem>>) target(%dma_start3A_495 : memref<128x128xf32, #tpu.memory_space<hbm>>) target_semaphore(%arg24 : memref<!tpu.dma_semaphore, #tpu.memory_space<semaphore_mem>>)
      %mul3A_496 = arith.constant 5 : i32
      %mul3A_497 = arith.muli %add3A_453, %mul3A_496 : i32
      %add3A_498 = arith.constant 2 : i32
      %add3A_499 = arith.addi %mul3A_497, %add3A_498 : i32
      %add3A_500 = arith.constant 5 : i32
      %add3A_501 = arith.addi %add3A_499, %add3A_500 : i32
      %sub3A_502 = arith.constant 1 : i32
      %sub3A_503 = arith.subi %add3A_501, %sub3A_502 : i32
      %lt3A_504 = arith.constant 50 : i32
      %lt3A_505 = arith.cmpi slt, %sub3A_503, %lt3A_504 : i32
      %convert_element_type3A_506 = arith.extui %lt3A_505 : i1 to i32
      %cond3A_507 = arith.constant 0 : i32
      %cond3A_508 = arith.cmpi ne, %convert_element_type3A_506, %cond3A_507 : i32
      scf.if %cond3A_508 {
        %ge3A = arith.constant 5 : i32
        %ge3A_565 = arith.cmpi sge, %sub3A_503, %ge3A : i32
        %convert_element_type3A_566 = arith.extui %ge3A_565 : i1 to i32
        %cond3A_567 = arith.constant 0 : i32
        %cond3A_568 = arith.cmpi ne, %convert_element_type3A_566, %cond3A_567 : i32
        scf.if %cond3A_568 {
          %sub3A_692 = arith.constant 5 : i32
          %sub3A_693 = arith.subi %sub3A_503, %sub3A_692 : i32
          %mul3A_694 = arith.constant 128 : i32
          %mul3A_695 = arith.muli %sub3A_693, %mul3A_694 : i32
          %add3A_696 = arith.addi %mul3A_2, %mul3A_695 : i32
          %dma_wait3A_697 = arith.constant 0 : i32
          %dma_wait3A_698 = tpu.memref_slice %arg5[%add3A_696, %dma_wait3A_697] : memref<204800x128xf32, #tpu.memory_space<hbm>> -> memref<128x128xf32, #tpu.memory_space<hbm>>
          %dma_wait3A_699 = arith.constant 0 : i32
          %dma_wait3A_700 = tpu.memref_slice %arg5[%add3A_696, %dma_wait3A_699] : memref<204800x128xf32, #tpu.memory_space<hbm>> -> memref<128x128xf32, #tpu.memory_space<hbm>>
          tpu.wait_dma2 semaphore(%arg24 : memref<!tpu.dma_semaphore, #tpu.memory_space<semaphore_mem>>) src(%arg14 : memref<128x128xf32, #tpu.memory_space<vmem>>) dst(%dma_wait3A_700 : memref<128x128xf32, #tpu.memory_space<hbm>>)
        } else {
        }
        %mul3A_569 = arith.constant 128 : i32
        %mul3A_570 = arith.muli %sub3A_503, %mul3A_569 : i32
        %add3A_571 = arith.constant 0 : i32
        %add3A_572 = arith.addi %mul3A_570, %add3A_571 : i32
        %get3A_573 = arith.index_cast %add3A_572 : i32 to index
        %get3A_574 = tpu.vector_load %arg6[%get3A_573] {strides = array<i32>} : memref<6400xi32, #tpu.memory_space<vmem>>, vector<16xi32>,
        %get3A_575 = vector.shape_cast %get3A_574 : vector<16xi32> to vector<16xi32>
        %get3A_576 = arith.index_cast %add3A_572 : i32 to index
        %get3A_577 = tpu.vector_load %arg7[%get3A_576] {strides = array<i32>} : memref<6400xi32, #tpu.memory_space<vmem>>, vector<16xi32>,
        %get3A_578 = vector.shape_cast %get3A_577 : vector<16xi32> to vector<16xi32>
        %add3A_579 = arith.addi %get3A_575, %get3A_578 : vector<16xi32>
        %swap3A_580 = arith.constant 0 : index
        %swap3A_581 = tpu.vector_load %arg9[%swap3A_580] {strides = array<i32>} : memref<128xi32, #tpu.memory_space<vmem>>, vector<16xi32>,
        %swap3A_582 = vector.shape_cast %swap3A_581 : vector<16xi32> to vector<16xi32>
        %swap3A_583 = vector.shape_cast %add3A_579 : vector<16xi32> to vector<16xi32>
        tpu.vector_store %arg9[%swap3A_580], %swap3A_583 {strides = array<i32>} : memref<128xi32, #tpu.memory_space<vmem>>, vector<16xi32>,
        %mul3A_584 = arith.constant 128 : i32
        %mul3A_585 = arith.muli %sub3A_503, %mul3A_584 : i32
        %add3A_586 = arith.constant 16 : i32
        %add3A_587 = arith.addi %mul3A_585, %add3A_586 : i32
        %get3A_588 = arith.index_cast %add3A_587 : i32 to index
        %get3A_589 = tpu.vector_load %arg6[%get3A_588] {strides = array<i32>} : memref<6400xi32, #tpu.memory_space<vmem>>, vector<16xi32>,
        %get3A_590 = vector.shape_cast %get3A_589 : vector<16xi32> to vector<16xi32>
        %get3A_591 = arith.index_cast %add3A_587 : i32 to index
        %get3A_592 = tpu.vector_load %arg7[%get3A_591] {strides = array<i32>} : memref<6400xi32, #tpu.memory_space<vmem>>, vector<16xi32>,
        %get3A_593 = vector.shape_cast %get3A_592 : vector<16xi32> to vector<16xi32>
        %add3A_594 = arith.addi %get3A_590, %get3A_593 : vector<16xi32>
        %swap3A_595 = arith.constant 16 : index
        %swap3A_596 = tpu.vector_load %arg9[%swap3A_595] {strides = array<i32>} : memref<128xi32, #tpu.memory_space<vmem>>, vector<16xi32>,
        %swap3A_597 = vector.shape_cast %swap3A_596 : vector<16xi32> to vector<16xi32>
        %swap3A_598 = vector.shape_cast %add3A_594 : vector<16xi32> to vector<16xi32>
        tpu.vector_store %arg9[%swap3A_595], %swap3A_598 {strides = array<i32>} : memref<128xi32, #tpu.memory_space<vmem>>, vector<16xi32>,
        %mul3A_599 = arith.constant 128 : i32
        %mul3A_600 = arith.muli %sub3A_503, %mul3A_599 : i32
        %add3A_601 = arith.constant 32 : i32
        %add3A_602 = arith.addi %mul3A_600, %add3A_601 : i32
        %get3A_603 = arith.index_cast %add3A_602 : i32 to index
        %get3A_604 = tpu.vector_load %arg6[%get3A_603] {strides = array<i32>} : memref<6400xi32, #tpu.memory_space<vmem>>, vector<16xi32>,
        %get3A_605 = vector.shape_cast %get3A_604 : vector<16xi32> to vector<16xi32>
        %get3A_606 = arith.index_cast %add3A_602 : i32 to index
        %get3A_607 = tpu.vector_load %arg7[%get3A_606] {strides = array<i32>} : memref<6400xi32, #tpu.memory_space<vmem>>, vector<16xi32>,
        %get3A_608 = vector.shape_cast %get3A_607 : vector<16xi32> to vector<16xi32>
        %add3A_609 = arith.addi %get3A_605, %get3A_608 : vector<16xi32>
        %swap3A_610 = arith.constant 32 : index
        %swap3A_611 = tpu.vector_load %arg9[%swap3A_610] {strides = array<i32>} : memref<128xi32, #tpu.memory_space<vmem>>, vector<16xi32>,
        %swap3A_612 = vector.shape_cast %swap3A_611 : vector<16xi32> to vector<16xi32>
        %swap3A_613 = vector.shape_cast %add3A_609 : vector<16xi32> to vector<16xi32>
        tpu.vector_store %arg9[%swap3A_610], %swap3A_613 {strides = array<i32>} : memref<128xi32, #tpu.memory_space<vmem>>, vector<16xi32>,
        %mul3A_614 = arith.constant 128 : i32
        %mul3A_615 = arith.muli %sub3A_503, %mul3A_614 : i32
        %add3A_616 = arith.constant 48 : i32
        %add3A_617 = arith.addi %mul3A_615, %add3A_616 : i32
        %get3A_618 = arith.index_cast %add3A_617 : i32 to index
        %get3A_619 = tpu.vector_load %arg6[%get3A_618] {strides = array<i32>} : memref<6400xi32, #tpu.memory_space<vmem>>, vector<16xi32>,
        %get3A_620 = vector.shape_cast %get3A_619 : vector<16xi32> to vector<16xi32>
        %get3A_621 = arith.index_cast %add3A_617 : i32 to index
        %get3A_622 = tpu.vector_load %arg7[%get3A_621] {strides = array<i32>} : memref<6400xi32, #tpu.memory_space<vmem>>, vector<16xi32>,
        %get3A_623 = vector.shape_cast %get3A_622 : vector<16xi32> to vector<16xi32>
        %add3A_624 = arith.addi %get3A_620, %get3A_623 : vector<16xi32>
        %swap3A_625 = arith.constant 48 : index
        %swap3A_626 = tpu.vector_load %arg9[%swap3A_625] {strides = array<i32>} : memref<128xi32, #tpu.memory_space<vmem>>, vector<16xi32>,
        %swap3A_627 = vector.shape_cast %swap3A_626 : vector<16xi32> to vector<16xi32>
        %swap3A_628 = vector.shape_cast %add3A_624 : vector<16xi32> to vector<16xi32>
        tpu.vector_store %arg9[%swap3A_625], %swap3A_628 {strides = array<i32>} : memref<128xi32, #tpu.memory_space<vmem>>, vector<16xi32>,
        %mul3A_629 = arith.constant 128 : i32
        %mul3A_630 = arith.muli %sub3A_503, %mul3A_629 : i32
        %add3A_631 = arith.constant 64 : i32
        %add3A_632 = arith.addi %mul3A_630, %add3A_631 : i32
        %get3A_633 = arith.index_cast %add3A_632 : i32 to index
        %get3A_634 = tpu.vector_load %arg6[%get3A_633] {strides = array<i32>} : memref<6400xi32, #tpu.memory_space<vmem>>, vector<16xi32>,
        %get3A_635 = vector.shape_cast %get3A_634 : vector<16xi32> to vector<16xi32>
        %get3A_636 = arith.index_cast %add3A_632 : i32 to index
        %get3A_637 = tpu.vector_load %arg7[%get3A_636] {strides = array<i32>} : memref<6400xi32, #tpu.memory_space<vmem>>, vector<16xi32>,
        %get3A_638 = vector.shape_cast %get3A_637 : vector<16xi32> to vector<16xi32>
        %add3A_639 = arith.addi %get3A_635, %get3A_638 : vector<16xi32>
        %swap3A_640 = arith.constant 64 : index
        %swap3A_641 = tpu.vector_load %arg9[%swap3A_640] {strides = array<i32>} : memref<128xi32, #tpu.memory_space<vmem>>, vector<16xi32>,
        %swap3A_642 = vector.shape_cast %swap3A_641 : vector<16xi32> to vector<16xi32>
        %swap3A_643 = vector.shape_cast %add3A_639 : vector<16xi32> to vector<16xi32>
        tpu.vector_store %arg9[%swap3A_640], %swap3A_643 {strides = array<i32>} : memref<128xi32, #tpu.memory_space<vmem>>, vector<16xi32>,
        %mul3A_644 = arith.constant 128 : i32
        %mul3A_645 = arith.muli %sub3A_503, %mul3A_644 : i32
        %add3A_646 = arith.constant 80 : i32
        %add3A_647 = arith.addi %mul3A_645, %add3A_646 : i32
        %get3A_648 = arith.index_cast %add3A_647 : i32 to index
        %get3A_649 = tpu.vector_load %arg6[%get3A_648] {strides = array<i32>} : memref<6400xi32, #tpu.memory_space<vmem>>, vector<16xi32>,
        %get3A_650 = vector.shape_cast %get3A_649 : vector<16xi32> to vector<16xi32>
        %get3A_651 = arith.index_cast %add3A_647 : i32 to index
        %get3A_652 = tpu.vector_load %arg7[%get3A_651] {strides = array<i32>} : memref<6400xi32, #tpu.memory_space<vmem>>, vector<16xi32>,
        %get3A_653 = vector.shape_cast %get3A_652 : vector<16xi32> to vector<16xi32>
        %add3A_654 = arith.addi %get3A_650, %get3A_653 : vector<16xi32>
        %swap3A_655 = arith.constant 80 : index
        %swap3A_656 = tpu.vector_load %arg9[%swap3A_655] {strides = array<i32>} : memref<128xi32, #tpu.memory_space<vmem>>, vector<16xi32>,
        %swap3A_657 = vector.shape_cast %swap3A_656 : vector<16xi32> to vector<16xi32>
        %swap3A_658 = vector.shape_cast %add3A_654 : vector<16xi32> to vector<16xi32>
        tpu.vector_store %arg9[%swap3A_655], %swap3A_658 {strides = array<i32>} : memref<128xi32, #tpu.memory_space<vmem>>, vector<16xi32>,
        %mul3A_659 = arith.constant 128 : i32
        %mul3A_660 = arith.muli %sub3A_503, %mul3A_659 : i32
        %add3A_661 = arith.constant 96 : i32
        %add3A_662 = arith.addi %mul3A_660, %add3A_661 : i32
        %get3A_663 = arith.index_cast %add3A_662 : i32 to index
        %get3A_664 = tpu.vector_load %arg6[%get3A_663] {strides = array<i32>} : memref<6400xi32, #tpu.memory_space<vmem>>, vector<16xi32>,
        %get3A_665 = vector.shape_cast %get3A_664 : vector<16xi32> to vector<16xi32>
        %get3A_666 = arith.index_cast %add3A_662 : i32 to index
        %get3A_667 = tpu.vector_load %arg7[%get3A_666] {strides = array<i32>} : memref<6400xi32, #tpu.memory_space<vmem>>, vector<16xi32>,
        %get3A_668 = vector.shape_cast %get3A_667 : vector<16xi32> to vector<16xi32>
        %add3A_669 = arith.addi %get3A_665, %get3A_668 : vector<16xi32>
        %swap3A_670 = arith.constant 96 : index
        %swap3A_671 = tpu.vector_load %arg9[%swap3A_670] {strides = array<i32>} : memref<128xi32, #tpu.memory_space<vmem>>, vector<16xi32>,
        %swap3A_672 = vector.shape_cast %swap3A_671 : vector<16xi32> to vector<16xi32>
        %swap3A_673 = vector.shape_cast %add3A_669 : vector<16xi32> to vector<16xi32>
        tpu.vector_store %arg9[%swap3A_670], %swap3A_673 {strides = array<i32>} : memref<128xi32, #tpu.memory_space<vmem>>, vector<16xi32>,
        %mul3A_674 = arith.constant 128 : i32
        %mul3A_675 = arith.muli %sub3A_503, %mul3A_674 : i32
        %add3A_676 = arith.constant 112 : i32
        %add3A_677 = arith.addi %mul3A_675, %add3A_676 : i32
        %get3A_678 = arith.index_cast %add3A_677 : i32 to index
        %get3A_679 = tpu.vector_load %arg6[%get3A_678] {strides = array<i32>} : memref<6400xi32, #tpu.memory_space<vmem>>, vector<16xi32>,
        %get3A_680 = vector.shape_cast %get3A_679 : vector<16xi32> to vector<16xi32>
        %get3A_681 = arith.index_cast %add3A_677 : i32 to index
        %get3A_682 = tpu.vector_load %arg7[%get3A_681] {strides = array<i32>} : memref<6400xi32, #tpu.memory_space<vmem>>, vector<16xi32>,
        %get3A_683 = vector.shape_cast %get3A_682 : vector<16xi32> to vector<16xi32>
        %add3A_684 = arith.addi %get3A_680, %get3A_683 : vector<16xi32>
        %swap3A_685 = arith.constant 112 : index
        %swap3A_686 = tpu.vector_load %arg9[%swap3A_685] {strides = array<i32>} : memref<128xi32, #tpu.memory_space<vmem>>, vector<16xi32>,
        %swap3A_687 = vector.shape_cast %swap3A_686 : vector<16xi32> to vector<16xi32>
        %swap3A_688 = vector.shape_cast %add3A_684 : vector<16xi32> to vector<16xi32>
        tpu.vector_store %arg9[%swap3A_685], %swap3A_688 {strides = array<i32>} : memref<128xi32, #tpu.memory_space<vmem>>, vector<16xi32>,
        %dma_start3A_689 = arith.constant 0 : i32
        %dma_start3A_690 = arith.constant 0 : i32
        %dma_start3A_691 = tpu.memref_slice %arg2[%dma_start3A_689, %dma_start3A_690] : memref<200000x128xf32, #tpu.memory_space<hbm>> -> memref<200000x128xf32, #tpu.memory_space<hbm>>
        tpu.enqueue_indirect_dma source(%dma_start3A_691 : memref<200000x128xf32, #tpu.memory_space<hbm>>) target(%arg14 : memref<128x128xf32, #tpu.memory_space<vmem>>) offsets(%arg9 : memref<128xi32, #tpu.memory_space<vmem>>) semaphore(%arg19 : memref<!tpu.dma_semaphore, #tpu.memory_space<semaphore_mem>>)
      } else {
      }
      %dma_wait3A_509 = arith.constant 0 : i32
      %dma_wait3A_510 = arith.constant 0 : i32
      %dma_wait3A_511 = tpu.memref_slice %arg2[%dma_wait3A_509, %dma_wait3A_510] : memref<200000x128xf32, #tpu.memory_space<hbm>> -> memref<200000x128xf32, #tpu.memory_space<hbm>>
      tpu.wait_indirect_dma semaphore(%arg20 : memref<!tpu.dma_semaphore, #tpu.memory_space<semaphore_mem>>) src(%dma_wait3A_511 : memref<200000x128xf32, #tpu.memory_space<hbm>>) dst(%arg15 : memref<128x128xf32, #tpu.memory_space<vmem>>)
      %mul3A_512 = arith.constant 128 : i32
      %mul3A_513 = arith.muli %add3A_499, %mul3A_512 : i32
      %add3A_514 = arith.addi %mul3A_2, %mul3A_513 : i32
      %dma_start3A_515 = arith.constant 0 : i32
      %dma_start3A_516 = tpu.memref_slice %arg5[%add3A_514, %dma_start3A_515] : memref<204800x128xf32, #tpu.memory_space<hbm>> -> memref<128x128xf32, #tpu.memory_space<hbm>>
      %dma_start3A_517 = arith.constant 0 : i32
      %dma_start3A_518 = tpu.memref_slice %arg5[%add3A_514, %dma_start3A_517] : memref<204800x128xf32, #tpu.memory_space<hbm>> -> memref<128x128xf32, #tpu.memory_space<hbm>>
      tpu.enqueue_dma source(%arg15 : memref<128x128xf32, #tpu.memory_space<vmem>>) target(%dma_start3A_518 : memref<128x128xf32, #tpu.memory_space<hbm>>) target_semaphore(%arg25 : memref<!tpu.dma_semaphore, #tpu.memory_space<semaphore_mem>>)
      %mul3A_519 = arith.constant 5 : i32
      %mul3A_520 = arith.muli %add3A_453, %mul3A_519 : i32
      %add3A_521 = arith.constant 3 : i32
      %add3A_522 = arith.addi %mul3A_520, %add3A_521 : i32
      %add3A_523 = arith.constant 5 : i32
      %add3A_524 = arith.addi %add3A_522, %add3A_523 : i32
      %sub3A_525 = arith.constant 1 : i32
      %sub3A_526 = arith.subi %add3A_524, %sub3A_525 : i32
      %lt3A_527 = arith.constant 50 : i32
      %lt3A_528 = arith.cmpi slt, %sub3A_526, %lt3A_527 : i32
      %convert_element_type3A_529 = arith.extui %lt3A_528 : i1 to i32
      %cond3A_530 = arith.constant 0 : i32
      %cond3A_531 = arith.cmpi ne, %convert_element_type3A_529, %cond3A_530 : i32
      scf.if %cond3A_531 {
        %ge3A = arith.constant 5 : i32
        %ge3A_565 = arith.cmpi sge, %sub3A_526, %ge3A : i32
        %convert_element_type3A_566 = arith.extui %ge3A_565 : i1 to i32
        %cond3A_567 = arith.constant 0 : i32
        %cond3A_568 = arith.cmpi ne, %convert_element_type3A_566, %cond3A_567 : i32
        scf.if %cond3A_568 {
          %sub3A_692 = arith.constant 5 : i32
          %sub3A_693 = arith.subi %sub3A_526, %sub3A_692 : i32
          %mul3A_694 = arith.constant 128 : i32
          %mul3A_695 = arith.muli %sub3A_693, %mul3A_694 : i32
          %add3A_696 = arith.addi %mul3A_2, %mul3A_695 : i32
          %dma_wait3A_697 = arith.constant 0 : i32
          %dma_wait3A_698 = tpu.memref_slice %arg5[%add3A_696, %dma_wait3A_697] : memref<204800x128xf32, #tpu.memory_space<hbm>> -> memref<128x128xf32, #tpu.memory_space<hbm>>
          %dma_wait3A_699 = arith.constant 0 : i32
          %dma_wait3A_700 = tpu.memref_slice %arg5[%add3A_696, %dma_wait3A_699] : memref<204800x128xf32, #tpu.memory_space<hbm>> -> memref<128x128xf32, #tpu.memory_space<hbm>>
          tpu.wait_dma2 semaphore(%arg25 : memref<!tpu.dma_semaphore, #tpu.memory_space<semaphore_mem>>) src(%arg15 : memref<128x128xf32, #tpu.memory_space<vmem>>) dst(%dma_wait3A_700 : memref<128x128xf32, #tpu.memory_space<hbm>>)
        } else {
        }
        %mul3A_569 = arith.constant 128 : i32
        %mul3A_570 = arith.muli %sub3A_526, %mul3A_569 : i32
        %add3A_571 = arith.constant 0 : i32
        %add3A_572 = arith.addi %mul3A_570, %add3A_571 : i32
        %get3A_573 = arith.index_cast %add3A_572 : i32 to index
        %get3A_574 = tpu.vector_load %arg6[%get3A_573] {strides = array<i32>} : memref<6400xi32, #tpu.memory_space<vmem>>, vector<16xi32>,
        %get3A_575 = vector.shape_cast %get3A_574 : vector<16xi32> to vector<16xi32>
        %get3A_576 = arith.index_cast %add3A_572 : i32 to index
        %get3A_577 = tpu.vector_load %arg7[%get3A_576] {strides = array<i32>} : memref<6400xi32, #tpu.memory_space<vmem>>, vector<16xi32>,
        %get3A_578 = vector.shape_cast %get3A_577 : vector<16xi32> to vector<16xi32>
        %add3A_579 = arith.addi %get3A_575, %get3A_578 : vector<16xi32>
        %swap3A_580 = arith.constant 0 : index
        %swap3A_581 = tpu.vector_load %arg10[%swap3A_580] {strides = array<i32>} : memref<128xi32, #tpu.memory_space<vmem>>, vector<16xi32>,
        %swap3A_582 = vector.shape_cast %swap3A_581 : vector<16xi32> to vector<16xi32>
        %swap3A_583 = vector.shape_cast %add3A_579 : vector<16xi32> to vector<16xi32>
        tpu.vector_store %arg10[%swap3A_580], %swap3A_583 {strides = array<i32>} : memref<128xi32, #tpu.memory_space<vmem>>, vector<16xi32>,
        %mul3A_584 = arith.constant 128 : i32
        %mul3A_585 = arith.muli %sub3A_526, %mul3A_584 : i32
        %add3A_586 = arith.constant 16 : i32
        %add3A_587 = arith.addi %mul3A_585, %add3A_586 : i32
        %get3A_588 = arith.index_cast %add3A_587 : i32 to index
        %get3A_589 = tpu.vector_load %arg6[%get3A_588] {strides = array<i32>} : memref<6400xi32, #tpu.memory_space<vmem>>, vector<16xi32>,
        %get3A_590 = vector.shape_cast %get3A_589 : vector<16xi32> to vector<16xi32>
        %get3A_591 = arith.index_cast %add3A_587 : i32 to index
        %get3A_592 = tpu.vector_load %arg7[%get3A_591] {strides = array<i32>} : memref<6400xi32, #tpu.memory_space<vmem>>, vector<16xi32>,
        %get3A_593 = vector.shape_cast %get3A_592 : vector<16xi32> to vector<16xi32>
        %add3A_594 = arith.addi %get3A_590, %get3A_593 : vector<16xi32>
        %swap3A_595 = arith.constant 16 : index
        %swap3A_596 = tpu.vector_load %arg10[%swap3A_595] {strides = array<i32>} : memref<128xi32, #tpu.memory_space<vmem>>, vector<16xi32>,
        %swap3A_597 = vector.shape_cast %swap3A_596 : vector<16xi32> to vector<16xi32>
        %swap3A_598 = vector.shape_cast %add3A_594 : vector<16xi32> to vector<16xi32>
        tpu.vector_store %arg10[%swap3A_595], %swap3A_598 {strides = array<i32>} : memref<128xi32, #tpu.memory_space<vmem>>, vector<16xi32>,
        %mul3A_599 = arith.constant 128 : i32
        %mul3A_600 = arith.muli %sub3A_526, %mul3A_599 : i32
        %add3A_601 = arith.constant 32 : i32
        %add3A_602 = arith.addi %mul3A_600, %add3A_601 : i32
        %get3A_603 = arith.index_cast %add3A_602 : i32 to index
        %get3A_604 = tpu.vector_load %arg6[%get3A_603] {strides = array<i32>} : memref<6400xi32, #tpu.memory_space<vmem>>, vector<16xi32>,
        %get3A_605 = vector.shape_cast %get3A_604 : vector<16xi32> to vector<16xi32>
        %get3A_606 = arith.index_cast %add3A_602 : i32 to index
        %get3A_607 = tpu.vector_load %arg7[%get3A_606] {strides = array<i32>} : memref<6400xi32, #tpu.memory_space<vmem>>, vector<16xi32>,
        %get3A_608 = vector.shape_cast %get3A_607 : vector<16xi32> to vector<16xi32>
        %add3A_609 = arith.addi %get3A_605, %get3A_608 : vector<16xi32>
        %swap3A_610 = arith.constant 32 : index
        %swap3A_611 = tpu.vector_load %arg10[%swap3A_610] {strides = array<i32>} : memref<128xi32, #tpu.memory_space<vmem>>, vector<16xi32>,
        %swap3A_612 = vector.shape_cast %swap3A_611 : vector<16xi32> to vector<16xi32>
        %swap3A_613 = vector.shape_cast %add3A_609 : vector<16xi32> to vector<16xi32>
        tpu.vector_store %arg10[%swap3A_610], %swap3A_613 {strides = array<i32>} : memref<128xi32, #tpu.memory_space<vmem>>, vector<16xi32>,
        %mul3A_614 = arith.constant 128 : i32
        %mul3A_615 = arith.muli %sub3A_526, %mul3A_614 : i32
        %add3A_616 = arith.constant 48 : i32
        %add3A_617 = arith.addi %mul3A_615, %add3A_616 : i32
        %get3A_618 = arith.index_cast %add3A_617 : i32 to index
        %get3A_619 = tpu.vector_load %arg6[%get3A_618] {strides = array<i32>} : memref<6400xi32, #tpu.memory_space<vmem>>, vector<16xi32>,
        %get3A_620 = vector.shape_cast %get3A_619 : vector<16xi32> to vector<16xi32>
        %get3A_621 = arith.index_cast %add3A_617 : i32 to index
        %get3A_622 = tpu.vector_load %arg7[%get3A_621] {strides = array<i32>} : memref<6400xi32, #tpu.memory_space<vmem>>, vector<16xi32>,
        %get3A_623 = vector.shape_cast %get3A_622 : vector<16xi32> to vector<16xi32>
        %add3A_624 = arith.addi %get3A_620, %get3A_623 : vector<16xi32>
        %swap3A_625 = arith.constant 48 : index
        %swap3A_626 = tpu.vector_load %arg10[%swap3A_625] {strides = array<i32>} : memref<128xi32, #tpu.memory_space<vmem>>, vector<16xi32>,
        %swap3A_627 = vector.shape_cast %swap3A_626 : vector<16xi32> to vector<16xi32>
        %swap3A_628 = vector.shape_cast %add3A_624 : vector<16xi32> to vector<16xi32>
        tpu.vector_store %arg10[%swap3A_625], %swap3A_628 {strides = array<i32>} : memref<128xi32, #tpu.memory_space<vmem>>, vector<16xi32>,
        %mul3A_629 = arith.constant 128 : i32
        %mul3A_630 = arith.muli %sub3A_526, %mul3A_629 : i32
        %add3A_631 = arith.constant 64 : i32
        %add3A_632 = arith.addi %mul3A_630, %add3A_631 : i32
        %get3A_633 = arith.index_cast %add3A_632 : i32 to index
        %get3A_634 = tpu.vector_load %arg6[%get3A_633] {strides = array<i32>} : memref<6400xi32, #tpu.memory_space<vmem>>, vector<16xi32>,
        %get3A_635 = vector.shape_cast %get3A_634 : vector<16xi32> to vector<16xi32>
        %get3A_636 = arith.index_cast %add3A_632 : i32 to index
        %get3A_637 = tpu.vector_load %arg7[%get3A_636] {strides = array<i32>} : memref<6400xi32, #tpu.memory_space<vmem>>, vector<16xi32>,
        %get3A_638 = vector.shape_cast %get3A_637 : vector<16xi32> to vector<16xi32>
        %add3A_639 = arith.addi %get3A_635, %get3A_638 : vector<16xi32>
        %swap3A_640 = arith.constant 64 : index
        %swap3A_641 = tpu.vector_load %arg10[%swap3A_640] {strides = array<i32>} : memref<128xi32, #tpu.memory_space<vmem>>, vector<16xi32>,
        %swap3A_642 = vector.shape_cast %swap3A_641 : vector<16xi32> to vector<16xi32>
        %swap3A_643 = vector.shape_cast %add3A_639 : vector<16xi32> to vector<16xi32>
        tpu.vector_store %arg10[%swap3A_640], %swap3A_643 {strides = array<i32>} : memref<128xi32, #tpu.memory_space<vmem>>, vector<16xi32>,
        %mul3A_644 = arith.constant 128 : i32
        %mul3A_645 = arith.muli %sub3A_526, %mul3A_644 : i32
        %add3A_646 = arith.constant 80 : i32
        %add3A_647 = arith.addi %mul3A_645, %add3A_646 : i32
        %get3A_648 = arith.index_cast %add3A_647 : i32 to index
        %get3A_649 = tpu.vector_load %arg6[%get3A_648] {strides = array<i32>} : memref<6400xi32, #tpu.memory_space<vmem>>, vector<16xi32>,
        %get3A_650 = vector.shape_cast %get3A_649 : vector<16xi32> to vector<16xi32>
        %get3A_651 = arith.index_cast %add3A_647 : i32 to index
        %get3A_652 = tpu.vector_load %arg7[%get3A_651] {strides = array<i32>} : memref<6400xi32, #tpu.memory_space<vmem>>, vector<16xi32>,
        %get3A_653 = vector.shape_cast %get3A_652 : vector<16xi32> to vector<16xi32>
        %add3A_654 = arith.addi %get3A_650, %get3A_653 : vector<16xi32>
        %swap3A_655 = arith.constant 80 : index
        %swap3A_656 = tpu.vector_load %arg10[%swap3A_655] {strides = array<i32>} : memref<128xi32, #tpu.memory_space<vmem>>, vector<16xi32>,
        %swap3A_657 = vector.shape_cast %swap3A_656 : vector<16xi32> to vector<16xi32>
        %swap3A_658 = vector.shape_cast %add3A_654 : vector<16xi32> to vector<16xi32>
        tpu.vector_store %arg10[%swap3A_655], %swap3A_658 {strides = array<i32>} : memref<128xi32, #tpu.memory_space<vmem>>, vector<16xi32>,
        %mul3A_659 = arith.constant 128 : i32
        %mul3A_660 = arith.muli %sub3A_526, %mul3A_659 : i32
        %add3A_661 = arith.constant 96 : i32
        %add3A_662 = arith.addi %mul3A_660, %add3A_661 : i32
        %get3A_663 = arith.index_cast %add3A_662 : i32 to index
        %get3A_664 = tpu.vector_load %arg6[%get3A_663] {strides = array<i32>} : memref<6400xi32, #tpu.memory_space<vmem>>, vector<16xi32>,
        %get3A_665 = vector.shape_cast %get3A_664 : vector<16xi32> to vector<16xi32>
        %get3A_666 = arith.index_cast %add3A_662 : i32 to index
        %get3A_667 = tpu.vector_load %arg7[%get3A_666] {strides = array<i32>} : memref<6400xi32, #tpu.memory_space<vmem>>, vector<16xi32>,
        %get3A_668 = vector.shape_cast %get3A_667 : vector<16xi32> to vector<16xi32>
        %add3A_669 = arith.addi %get3A_665, %get3A_668 : vector<16xi32>
        %swap3A_670 = arith.constant 96 : index
        %swap3A_671 = tpu.vector_load %arg10[%swap3A_670] {strides = array<i32>} : memref<128xi32, #tpu.memory_space<vmem>>, vector<16xi32>,
        %swap3A_672 = vector.shape_cast %swap3A_671 : vector<16xi32> to vector<16xi32>
        %swap3A_673 = vector.shape_cast %add3A_669 : vector<16xi32> to vector<16xi32>
        tpu.vector_store %arg10[%swap3A_670], %swap3A_673 {strides = array<i32>} : memref<128xi32, #tpu.memory_space<vmem>>, vector<16xi32>,
        %mul3A_674 = arith.constant 128 : i32
        %mul3A_675 = arith.muli %sub3A_526, %mul3A_674 : i32
        %add3A_676 = arith.constant 112 : i32
        %add3A_677 = arith.addi %mul3A_675, %add3A_676 : i32
        %get3A_678 = arith.index_cast %add3A_677 : i32 to index
        %get3A_679 = tpu.vector_load %arg6[%get3A_678] {strides = array<i32>} : memref<6400xi32, #tpu.memory_space<vmem>>, vector<16xi32>,
        %get3A_680 = vector.shape_cast %get3A_679 : vector<16xi32> to vector<16xi32>
        %get3A_681 = arith.index_cast %add3A_677 : i32 to index
        %get3A_682 = tpu.vector_load %arg7[%get3A_681] {strides = array<i32>} : memref<6400xi32, #tpu.memory_space<vmem>>, vector<16xi32>,
        %get3A_683 = vector.shape_cast %get3A_682 : vector<16xi32> to vector<16xi32>
        %add3A_684 = arith.addi %get3A_680, %get3A_683 : vector<16xi32>
        %swap3A_685 = arith.constant 112 : index
        %swap3A_686 = tpu.vector_load %arg10[%swap3A_685] {strides = array<i32>} : memref<128xi32, #tpu.memory_space<vmem>>, vector<16xi32>,
        %swap3A_687 = vector.shape_cast %swap3A_686 : vector<16xi32> to vector<16xi32>
        %swap3A_688 = vector.shape_cast %add3A_684 : vector<16xi32> to vector<16xi32>
        tpu.vector_store %arg10[%swap3A_685], %swap3A_688 {strides = array<i32>} : memref<128xi32, #tpu.memory_space<vmem>>, vector<16xi32>,
        %dma_start3A_689 = arith.constant 0 : i32
        %dma_start3A_690 = arith.constant 0 : i32
        %dma_start3A_691 = tpu.memref_slice %arg2[%dma_start3A_689, %dma_start3A_690] : memref<200000x128xf32, #tpu.memory_space<hbm>> -> memref<200000x128xf32, #tpu.memory_space<hbm>>
        tpu.enqueue_indirect_dma source(%dma_start3A_691 : memref<200000x128xf32, #tpu.memory_space<hbm>>) target(%arg15 : memref<128x128xf32, #tpu.memory_space<vmem>>) offsets(%arg10 : memref<128xi32, #tpu.memory_space<vmem>>) semaphore(%arg20 : memref<!tpu.dma_semaphore, #tpu.memory_space<semaphore_mem>>)
      } else {
      }
      %dma_wait3A_532 = arith.constant 0 : i32
      %dma_wait3A_533 = arith.constant 0 : i32
      %dma_wait3A_534 = tpu.memref_slice %arg2[%dma_wait3A_532, %dma_wait3A_533] : memref<200000x128xf32, #tpu.memory_space<hbm>> -> memref<200000x128xf32, #tpu.memory_space<hbm>>
      tpu.wait_indirect_dma semaphore(%arg21 : memref<!tpu.dma_semaphore, #tpu.memory_space<semaphore_mem>>) src(%dma_wait3A_534 : memref<200000x128xf32, #tpu.memory_space<hbm>>) dst(%arg16 : memref<128x128xf32, #tpu.memory_space<vmem>>)
      %mul3A_535 = arith.constant 128 : i32
      %mul3A_536 = arith.muli %add3A_522, %mul3A_535 : i32
      %add3A_537 = arith.addi %mul3A_2, %mul3A_536 : i32
      %dma_start3A_538 = arith.constant 0 : i32
      %dma_start3A_539 = tpu.memref_slice %arg5[%add3A_537, %dma_start3A_538] : memref<204800x128xf32, #tpu.memory_space<hbm>> -> memref<128x128xf32, #tpu.memory_space<hbm>>
      %dma_start3A_540 = arith.constant 0 : i32
      %dma_start3A_541 = tpu.memref_slice %arg5[%add3A_537, %dma_start3A_540] : memref<204800x128xf32, #tpu.memory_space<hbm>> -> memref<128x128xf32, #tpu.memory_space<hbm>>
      tpu.enqueue_dma source(%arg16 : memref<128x128xf32, #tpu.memory_space<vmem>>) target(%dma_start3A_541 : memref<128x128xf32, #tpu.memory_space<hbm>>) target_semaphore(%arg26 : memref<!tpu.dma_semaphore, #tpu.memory_space<semaphore_mem>>)
      %mul3A_542 = arith.constant 5 : i32
      %mul3A_543 = arith.muli %add3A_453, %mul3A_542 : i32
      %add3A_544 = arith.constant 4 : i32
      %add3A_545 = arith.addi %mul3A_543, %add3A_544 : i32
      %add3A_546 = arith.constant 5 : i32
      %add3A_547 = arith.addi %add3A_545, %add3A_546 : i32
      %sub3A_548 = arith.constant 1 : i32
      %sub3A_549 = arith.subi %add3A_547, %sub3A_548 : i32
      %lt3A_550 = arith.constant 50 : i32
      %lt3A_551 = arith.cmpi slt, %sub3A_549, %lt3A_550 : i32
      %convert_element_type3A_552 = arith.extui %lt3A_551 : i1 to i32
      %cond3A_553 = arith.constant 0 : i32
      %cond3A_554 = arith.cmpi ne, %convert_element_type3A_552, %cond3A_553 : i32
      scf.if %cond3A_554 {
        %ge3A = arith.constant 5 : i32
        %ge3A_565 = arith.cmpi sge, %sub3A_549, %ge3A : i32
        %convert_element_type3A_566 = arith.extui %ge3A_565 : i1 to i32
        %cond3A_567 = arith.constant 0 : i32
        %cond3A_568 = arith.cmpi ne, %convert_element_type3A_566, %cond3A_567 : i32
        scf.if %cond3A_568 {
          %sub3A_692 = arith.constant 5 : i32
          %sub3A_693 = arith.subi %sub3A_549, %sub3A_692 : i32
          %mul3A_694 = arith.constant 128 : i32
          %mul3A_695 = arith.muli %sub3A_693, %mul3A_694 : i32
          %add3A_696 = arith.addi %mul3A_2, %mul3A_695 : i32
          %dma_wait3A_697 = arith.constant 0 : i32
          %dma_wait3A_698 = tpu.memref_slice %arg5[%add3A_696, %dma_wait3A_697] : memref<204800x128xf32, #tpu.memory_space<hbm>> -> memref<128x128xf32, #tpu.memory_space<hbm>>
          %dma_wait3A_699 = arith.constant 0 : i32
          %dma_wait3A_700 = tpu.memref_slice %arg5[%add3A_696, %dma_wait3A_699] : memref<204800x128xf32, #tpu.memory_space<hbm>> -> memref<128x128xf32, #tpu.memory_space<hbm>>
          tpu.wait_dma2 semaphore(%arg26 : memref<!tpu.dma_semaphore, #tpu.memory_space<semaphore_mem>>) src(%arg16 : memref<128x128xf32, #tpu.memory_space<vmem>>) dst(%dma_wait3A_700 : memref<128x128xf32, #tpu.memory_space<hbm>>)
        } else {
        }
        %mul3A_569 = arith.constant 128 : i32
        %mul3A_570 = arith.muli %sub3A_549, %mul3A_569 : i32
        %add3A_571 = arith.constant 0 : i32
        %add3A_572 = arith.addi %mul3A_570, %add3A_571 : i32
        %get3A_573 = arith.index_cast %add3A_572 : i32 to index
        %get3A_574 = tpu.vector_load %arg6[%get3A_573] {strides = array<i32>} : memref<6400xi32, #tpu.memory_space<vmem>>, vector<16xi32>,
        %get3A_575 = vector.shape_cast %get3A_574 : vector<16xi32> to vector<16xi32>
        %get3A_576 = arith.index_cast %add3A_572 : i32 to index
        %get3A_577 = tpu.vector_load %arg7[%get3A_576] {strides = array<i32>} : memref<6400xi32, #tpu.memory_space<vmem>>, vector<16xi32>,
        %get3A_578 = vector.shape_cast %get3A_577 : vector<16xi32> to vector<16xi32>
        %add3A_579 = arith.addi %get3A_575, %get3A_578 : vector<16xi32>
        %swap3A_580 = arith.constant 0 : index
        %swap3A_581 = tpu.vector_load %arg11[%swap3A_580] {strides = array<i32>} : memref<128xi32, #tpu.memory_space<vmem>>, vector<16xi32>,
        %swap3A_582 = vector.shape_cast %swap3A_581 : vector<16xi32> to vector<16xi32>
        %swap3A_583 = vector.shape_cast %add3A_579 : vector<16xi32> to vector<16xi32>
        tpu.vector_store %arg11[%swap3A_580], %swap3A_583 {strides = array<i32>} : memref<128xi32, #tpu.memory_space<vmem>>, vector<16xi32>,
        %mul3A_584 = arith.constant 128 : i32
        %mul3A_585 = arith.muli %sub3A_549, %mul3A_584 : i32
        %add3A_586 = arith.constant 16 : i32
        %add3A_587 = arith.addi %mul3A_585, %add3A_586 : i32
        %get3A_588 = arith.index_cast %add3A_587 : i32 to index
        %get3A_589 = tpu.vector_load %arg6[%get3A_588] {strides = array<i32>} : memref<6400xi32, #tpu.memory_space<vmem>>, vector<16xi32>,
        %get3A_590 = vector.shape_cast %get3A_589 : vector<16xi32> to vector<16xi32>
        %get3A_591 = arith.index_cast %add3A_587 : i32 to index
        %get3A_592 = tpu.vector_load %arg7[%get3A_591] {strides = array<i32>} : memref<6400xi32, #tpu.memory_space<vmem>>, vector<16xi32>,
        %get3A_593 = vector.shape_cast %get3A_592 : vector<16xi32> to vector<16xi32>
        %add3A_594 = arith.addi %get3A_590, %get3A_593 : vector<16xi32>
        %swap3A_595 = arith.constant 16 : index
        %swap3A_596 = tpu.vector_load %arg11[%swap3A_595] {strides = array<i32>} : memref<128xi32, #tpu.memory_space<vmem>>, vector<16xi32>,
        %swap3A_597 = vector.shape_cast %swap3A_596 : vector<16xi32> to vector<16xi32>
        %swap3A_598 = vector.shape_cast %add3A_594 : vector<16xi32> to vector<16xi32>
        tpu.vector_store %arg11[%swap3A_595], %swap3A_598 {strides = array<i32>} : memref<128xi32, #tpu.memory_space<vmem>>, vector<16xi32>,
        %mul3A_599 = arith.constant 128 : i32
        %mul3A_600 = arith.muli %sub3A_549, %mul3A_599 : i32
        %add3A_601 = arith.constant 32 : i32
        %add3A_602 = arith.addi %mul3A_600, %add3A_601 : i32
        %get3A_603 = arith.index_cast %add3A_602 : i32 to index
        %get3A_604 = tpu.vector_load %arg6[%get3A_603] {strides = array<i32>} : memref<6400xi32, #tpu.memory_space<vmem>>, vector<16xi32>,
        %get3A_605 = vector.shape_cast %get3A_604 : vector<16xi32> to vector<16xi32>
        %get3A_606 = arith.index_cast %add3A_602 : i32 to index
        %get3A_607 = tpu.vector_load %arg7[%get3A_606] {strides = array<i32>} : memref<6400xi32, #tpu.memory_space<vmem>>, vector<16xi32>,
        %get3A_608 = vector.shape_cast %get3A_607 : vector<16xi32> to vector<16xi32>
        %add3A_609 = arith.addi %get3A_605, %get3A_608 : vector<16xi32>
        %swap3A_610 = arith.constant 32 : index
        %swap3A_611 = tpu.vector_load %arg11[%swap3A_610] {strides = array<i32>} : memref<128xi32, #tpu.memory_space<vmem>>, vector<16xi32>,
        %swap3A_612 = vector.shape_cast %swap3A_611 : vector<16xi32> to vector<16xi32>
        %swap3A_613 = vector.shape_cast %add3A_609 : vector<16xi32> to vector<16xi32>
        tpu.vector_store %arg11[%swap3A_610], %swap3A_613 {strides = array<i32>} : memref<128xi32, #tpu.memory_space<vmem>>, vector<16xi32>,
        %mul3A_614 = arith.constant 128 : i32
        %mul3A_615 = arith.muli %sub3A_549, %mul3A_614 : i32
        %add3A_616 = arith.constant 48 : i32
        %add3A_617 = arith.addi %mul3A_615, %add3A_616 : i32
        %get3A_618 = arith.index_cast %add3A_617 : i32 to index
        %get3A_619 = tpu.vector_load %arg6[%get3A_618] {strides = array<i32>} : memref<6400xi32, #tpu.memory_space<vmem>>, vector<16xi32>,
        %get3A_620 = vector.shape_cast %get3A_619 : vector<16xi32> to vector<16xi32>
        %get3A_621 = arith.index_cast %add3A_617 : i32 to index
        %get3A_622 = tpu.vector_load %arg7[%get3A_621] {strides = array<i32>} : memref<6400xi32, #tpu.memory_space<vmem>>, vector<16xi32>,
        %get3A_623 = vector.shape_cast %get3A_622 : vector<16xi32> to vector<16xi32>
        %add3A_624 = arith.addi %get3A_620, %get3A_623 : vector<16xi32>
        %swap3A_625 = arith.constant 48 : index
        %swap3A_626 = tpu.vector_load %arg11[%swap3A_625] {strides = array<i32>} : memref<128xi32, #tpu.memory_space<vmem>>, vector<16xi32>,
        %swap3A_627 = vector.shape_cast %swap3A_626 : vector<16xi32> to vector<16xi32>
        %swap3A_628 = vector.shape_cast %add3A_624 : vector<16xi32> to vector<16xi32>
        tpu.vector_store %arg11[%swap3A_625], %swap3A_628 {strides = array<i32>} : memref<128xi32, #tpu.memory_space<vmem>>, vector<16xi32>,
        %mul3A_629 = arith.constant 128 : i32
        %mul3A_630 = arith.muli %sub3A_549, %mul3A_629 : i32
        %add3A_631 = arith.constant 64 : i32
        %add3A_632 = arith.addi %mul3A_630, %add3A_631 : i32
        %get3A_633 = arith.index_cast %add3A_632 : i32 to index
        %get3A_634 = tpu.vector_load %arg6[%get3A_633] {strides = array<i32>} : memref<6400xi32, #tpu.memory_space<vmem>>, vector<16xi32>,
        %get3A_635 = vector.shape_cast %get3A_634 : vector<16xi32> to vector<16xi32>
        %get3A_636 = arith.index_cast %add3A_632 : i32 to index
        %get3A_637 = tpu.vector_load %arg7[%get3A_636] {strides = array<i32>} : memref<6400xi32, #tpu.memory_space<vmem>>, vector<16xi32>,
        %get3A_638 = vector.shape_cast %get3A_637 : vector<16xi32> to vector<16xi32>
        %add3A_639 = arith.addi %get3A_635, %get3A_638 : vector<16xi32>
        %swap3A_640 = arith.constant 64 : index
        %swap3A_641 = tpu.vector_load %arg11[%swap3A_640] {strides = array<i32>} : memref<128xi32, #tpu.memory_space<vmem>>, vector<16xi32>,
        %swap3A_642 = vector.shape_cast %swap3A_641 : vector<16xi32> to vector<16xi32>
        %swap3A_643 = vector.shape_cast %add3A_639 : vector<16xi32> to vector<16xi32>
        tpu.vector_store %arg11[%swap3A_640], %swap3A_643 {strides = array<i32>} : memref<128xi32, #tpu.memory_space<vmem>>, vector<16xi32>,
        %mul3A_644 = arith.constant 128 : i32
        %mul3A_645 = arith.muli %sub3A_549, %mul3A_644 : i32
        %add3A_646 = arith.constant 80 : i32
        %add3A_647 = arith.addi %mul3A_645, %add3A_646 : i32
        %get3A_648 = arith.index_cast %add3A_647 : i32 to index
        %get3A_649 = tpu.vector_load %arg6[%get3A_648] {strides = array<i32>} : memref<6400xi32, #tpu.memory_space<vmem>>, vector<16xi32>,
        %get3A_650 = vector.shape_cast %get3A_649 : vector<16xi32> to vector<16xi32>
        %get3A_651 = arith.index_cast %add3A_647 : i32 to index
        %get3A_652 = tpu.vector_load %arg7[%get3A_651] {strides = array<i32>} : memref<6400xi32, #tpu.memory_space<vmem>>, vector<16xi32>,
        %get3A_653 = vector.shape_cast %get3A_652 : vector<16xi32> to vector<16xi32>
        %add3A_654 = arith.addi %get3A_650, %get3A_653 : vector<16xi32>
        %swap3A_655 = arith.constant 80 : index
        %swap3A_656 = tpu.vector_load %arg11[%swap3A_655] {strides = array<i32>} : memref<128xi32, #tpu.memory_space<vmem>>, vector<16xi32>,
        %swap3A_657 = vector.shape_cast %swap3A_656 : vector<16xi32> to vector<16xi32>
        %swap3A_658 = vector.shape_cast %add3A_654 : vector<16xi32> to vector<16xi32>
        tpu.vector_store %arg11[%swap3A_655], %swap3A_658 {strides = array<i32>} : memref<128xi32, #tpu.memory_space<vmem>>, vector<16xi32>,
        %mul3A_659 = arith.constant 128 : i32
        %mul3A_660 = arith.muli %sub3A_549, %mul3A_659 : i32
        %add3A_661 = arith.constant 96 : i32
        %add3A_662 = arith.addi %mul3A_660, %add3A_661 : i32
        %get3A_663 = arith.index_cast %add3A_662 : i32 to index
        %get3A_664 = tpu.vector_load %arg6[%get3A_663] {strides = array<i32>} : memref<6400xi32, #tpu.memory_space<vmem>>, vector<16xi32>,
        %get3A_665 = vector.shape_cast %get3A_664 : vector<16xi32> to vector<16xi32>
        %get3A_666 = arith.index_cast %add3A_662 : i32 to index
        %get3A_667 = tpu.vector_load %arg7[%get3A_666] {strides = array<i32>} : memref<6400xi32, #tpu.memory_space<vmem>>, vector<16xi32>,
        %get3A_668 = vector.shape_cast %get3A_667 : vector<16xi32> to vector<16xi32>
        %add3A_669 = arith.addi %get3A_665, %get3A_668 : vector<16xi32>
        %swap3A_670 = arith.constant 96 : index
        %swap3A_671 = tpu.vector_load %arg11[%swap3A_670] {strides = array<i32>} : memref<128xi32, #tpu.memory_space<vmem>>, vector<16xi32>,
        %swap3A_672 = vector.shape_cast %swap3A_671 : vector<16xi32> to vector<16xi32>
        %swap3A_673 = vector.shape_cast %add3A_669 : vector<16xi32> to vector<16xi32>
        tpu.vector_store %arg11[%swap3A_670], %swap3A_673 {strides = array<i32>} : memref<128xi32, #tpu.memory_space<vmem>>, vector<16xi32>,
        %mul3A_674 = arith.constant 128 : i32
        %mul3A_675 = arith.muli %sub3A_549, %mul3A_674 : i32
        %add3A_676 = arith.constant 112 : i32
        %add3A_677 = arith.addi %mul3A_675, %add3A_676 : i32
        %get3A_678 = arith.index_cast %add3A_677 : i32 to index
        %get3A_679 = tpu.vector_load %arg6[%get3A_678] {strides = array<i32>} : memref<6400xi32, #tpu.memory_space<vmem>>, vector<16xi32>,
        %get3A_680 = vector.shape_cast %get3A_679 : vector<16xi32> to vector<16xi32>
        %get3A_681 = arith.index_cast %add3A_677 : i32 to index
        %get3A_682 = tpu.vector_load %arg7[%get3A_681] {strides = array<i32>} : memref<6400xi32, #tpu.memory_space<vmem>>, vector<16xi32>,
        %get3A_683 = vector.shape_cast %get3A_682 : vector<16xi32> to vector<16xi32>
        %add3A_684 = arith.addi %get3A_680, %get3A_683 : vector<16xi32>
        %swap3A_685 = arith.constant 112 : index
        %swap3A_686 = tpu.vector_load %arg11[%swap3A_685] {strides = array<i32>} : memref<128xi32, #tpu.memory_space<vmem>>, vector<16xi32>,
        %swap3A_687 = vector.shape_cast %swap3A_686 : vector<16xi32> to vector<16xi32>
        %swap3A_688 = vector.shape_cast %add3A_684 : vector<16xi32> to vector<16xi32>
        tpu.vector_store %arg11[%swap3A_685], %swap3A_688 {strides = array<i32>} : memref<128xi32, #tpu.memory_space<vmem>>, vector<16xi32>,
        %dma_start3A_689 = arith.constant 0 : i32
        %dma_start3A_690 = arith.constant 0 : i32
        %dma_start3A_691 = tpu.memref_slice %arg2[%dma_start3A_689, %dma_start3A_690] : memref<200000x128xf32, #tpu.memory_space<hbm>> -> memref<200000x128xf32, #tpu.memory_space<hbm>>
        tpu.enqueue_indirect_dma source(%dma_start3A_691 : memref<200000x128xf32, #tpu.memory_space<hbm>>) target(%arg16 : memref<128x128xf32, #tpu.memory_space<vmem>>) offsets(%arg11 : memref<128xi32, #tpu.memory_space<vmem>>) semaphore(%arg21 : memref<!tpu.dma_semaphore, #tpu.memory_space<semaphore_mem>>)
      } else {
      }
      %dma_wait3A_555 = arith.constant 0 : i32
      %dma_wait3A_556 = arith.constant 0 : i32
      %dma_wait3A_557 = tpu.memref_slice %arg2[%dma_wait3A_555, %dma_wait3A_556] : memref<200000x128xf32, #tpu.memory_space<hbm>> -> memref<200000x128xf32, #tpu.memory_space<hbm>>
      tpu.wait_indirect_dma semaphore(%arg22 : memref<!tpu.dma_semaphore, #tpu.memory_space<semaphore_mem>>) src(%dma_wait3A_557 : memref<200000x128xf32, #tpu.memory_space<hbm>>) dst(%arg17 : memref<128x128xf32, #tpu.memory_space<vmem>>)
      %mul3A_558 = arith.constant 128 : i32
      %mul3A_559 = arith.muli %add3A_545, %mul3A_558 : i32
      %add3A_560 = arith.addi %mul3A_2, %mul3A_559 : i32
      %dma_start3A_561 = arith.constant 0 : i32
      %dma_start3A_562 = tpu.memref_slice %arg5[%add3A_560, %dma_start3A_561] : memref<204800x128xf32, #tpu.memory_space<hbm>> -> memref<128x128xf32, #tpu.memory_space<hbm>>
      %dma_start3A_563 = arith.constant 0 : i32
      %dma_start3A_564 = tpu.memref_slice %arg5[%add3A_560, %dma_start3A_563] : memref<204800x128xf32, #tpu.memory_space<hbm>> -> memref<128x128xf32, #tpu.memory_space<hbm>>
      tpu.enqueue_dma source(%arg17 : memref<128x128xf32, #tpu.memory_space<vmem>>) target(%dma_start3A_564 : memref<128x128xf32, #tpu.memory_space<hbm>>) target_semaphore(%arg27 : memref<!tpu.dma_semaphore, #tpu.memory_space<semaphore_mem>>)
    }
    %scan3A_418 = arith.constant 10 : i32
    %add3A_419 = arith.constant 5760 : i32
    %add3A_420 = arith.addi %mul3A_2, %add3A_419 : i32
    %dma_wait3A_421 = arith.constant 0 : i32
    %dma_wait3A_422 = tpu.memref_slice %arg5[%add3A_420, %dma_wait3A_421] : memref<204800x128xf32, #tpu.memory_space<hbm>> -> memref<128x128xf32, #tpu.memory_space<hbm>>
    %dma_wait3A_423 = arith.constant 0 : i32
    %dma_wait3A_424 = tpu.memref_slice %arg5[%add3A_420, %dma_wait3A_423] : memref<204800x128xf32, #tpu.memory_space<hbm>> -> memref<128x128xf32, #tpu.memory_space<hbm>>
    tpu.wait_dma2 semaphore(%arg23 : memref<!tpu.dma_semaphore, #tpu.memory_space<semaphore_mem>>) src(%arg13 : memref<128x128xf32, #tpu.memory_space<vmem>>) dst(%dma_wait3A_424 : memref<128x128xf32, #tpu.memory_space<hbm>>)
    %add3A_425 = arith.constant 5888 : i32
    %add3A_426 = arith.addi %mul3A_2, %add3A_425 : i32
    %dma_wait3A_427 = arith.constant 0 : i32
    %dma_wait3A_428 = tpu.memref_slice %arg5[%add3A_426, %dma_wait3A_427] : memref<204800x128xf32, #tpu.memory_space<hbm>> -> memref<128x128xf32, #tpu.memory_space<hbm>>
    %dma_wait3A_429 = arith.constant 0 : i32
    %dma_wait3A_430 = tpu.memref_slice %arg5[%add3A_426, %dma_wait3A_429] : memref<204800x128xf32, #tpu.memory_space<hbm>> -> memref<128x128xf32, #tpu.memory_space<hbm>>
    tpu.wait_dma2 semaphore(%arg24 : memref<!tpu.dma_semaphore, #tpu.memory_space<semaphore_mem>>) src(%arg14 : memref<128x128xf32, #tpu.memory_space<vmem>>) dst(%dma_wait3A_430 : memref<128x128xf32, #tpu.memory_space<hbm>>)
    %add3A_431 = arith.constant 6016 : i32
    %add3A_432 = arith.addi %mul3A_2, %add3A_431 : i32
    %dma_wait3A_433 = arith.constant 0 : i32
    %dma_wait3A_434 = tpu.memref_slice %arg5[%add3A_432, %dma_wait3A_433] : memref<204800x128xf32, #tpu.memory_space<hbm>> -> memref<128x128xf32, #tpu.memory_space<hbm>>
    %dma_wait3A_435 = arith.constant 0 : i32
    %dma_wait3A_436 = tpu.memref_slice %arg5[%add3A_432, %dma_wait3A_435] : memref<204800x128xf32, #tpu.memory_space<hbm>> -> memref<128x128xf32, #tpu.memory_space<hbm>>
    tpu.wait_dma2 semaphore(%arg25 : memref<!tpu.dma_semaphore, #tpu.memory_space<semaphore_mem>>) src(%arg15 : memref<128x128xf32, #tpu.memory_space<vmem>>) dst(%dma_wait3A_436 : memref<128x128xf32, #tpu.memory_space<hbm>>)
    %add3A_437 = arith.constant 6144 : i32
    %add3A_438 = arith.addi %mul3A_2, %add3A_437 : i32
    %dma_wait3A_439 = arith.constant 0 : i32
    %dma_wait3A_440 = tpu.memref_slice %arg5[%add3A_438, %dma_wait3A_439] : memref<204800x128xf32, #tpu.memory_space<hbm>> -> memref<128x128xf32, #tpu.memory_space<hbm>>
    %dma_wait3A_441 = arith.constant 0 : i32
    %dma_wait3A_442 = tpu.memref_slice %arg5[%add3A_438, %dma_wait3A_441] : memref<204800x128xf32, #tpu.memory_space<hbm>> -> memref<128x128xf32, #tpu.memory_space<hbm>>
    tpu.wait_dma2 semaphore(%arg26 : memref<!tpu.dma_semaphore, #tpu.memory_space<semaphore_mem>>) src(%arg16 : memref<128x128xf32, #tpu.memory_space<vmem>>) dst(%dma_wait3A_442 : memref<128x128xf32, #tpu.memory_space<hbm>>)
    %add3A_443 = arith.constant 6272 : i32
    %add3A_444 = arith.addi %mul3A_2, %add3A_443 : i32
    %dma_wait3A_445 = arith.constant 0 : i32
    %dma_wait3A_446 = tpu.memref_slice %arg5[%add3A_444, %dma_wait3A_445] : memref<204800x128xf32, #tpu.memory_space<hbm>> -> memref<128x128xf32, #tpu.memory_space<hbm>>
    %dma_wait3A_447 = arith.constant 0 : i32
    %dma_wait3A_448 = tpu.memref_slice %arg5[%add3A_444, %dma_wait3A_447] : memref<204800x128xf32, #tpu.memory_space<hbm>> -> memref<128x128xf32, #tpu.memory_space<hbm>>
    tpu.wait_dma2 semaphore(%arg27 : memref<!tpu.dma_semaphore, #tpu.memory_space<semaphore_mem>>) src(%arg17 : memref<128x128xf32, #tpu.memory_space<vmem>>) dst(%dma_wait3A_448 : memref<128x128xf32, #tpu.memory_space<hbm>>)
    return
  }
}

</mosaic_0001>

<sc_bundles>
// kernel: kernel.3.cloned.1.call-start
scs
__scs_entry_jumppad:
0x0: {  	(pc) =	sbr.rel $0x88, $3  }
0x1: {  	(tag) =	ssettag $0x0;
	lr =	simm.s32 $0x1  }
0x2: {  	[smem:$0x3F9F] =	sst lr;
	_ =	strace $0xD0000000  }
0x3: {  	_ = 	snop  }
0x4: {  	_ = 	snop  }
0x5: {  	_ = 	snop  }
0x6: {  	_ = 	snop  }
0x7: {  	_ = 	snop  }
__scs_overlays_trampoline_lowered:
0x8: {  	[smem:$0x3FAE] =	sst s0  }
0x9: {  	[smem:$0x3FAF] =	sst s1  }
0xa: {  	[smem:$0x3FB0] =	sst s2  }
0xb: {  	[smem:$0x3FB1] =	sst s3  }
0xc: {  	[smem:$0x3FB2] =	sst s4  }
0xd: {  	[smem:$0x3FB3] =	sst s5  }
0xe: {  	[smem:$0x3FB4] =	sst s6  }
0xf: {  	[smem:$0x3FB5] =	sst s7  }
0x10: {  	[smem:$0x3FB6] =	sst s8  }
0x11: {  	[smem:$0x3FB7] =	sst s9;
	s0 =	simm.s32 @!p0 $0x0  }
0x12: {  	s1 =	sld [smem:$0x3F9D];
	s0 =	simm.s32 @p0 $0x1  }
0x13: {  	[smem:$0x3FB8] =	sst s0;
	s0 =	simm.s32 @!p1 $0x0  }
0x14: {  	s2 =	sld [smem:$0x3F9C];
	s0 =	simm.s32 @p1 $0x1  }
0x15: {  	[smem:$0x3FB9] =	sst s0;
	s0 =	simm.s32 @!p2 $0x0  }
0x16: {  	s3 =	sld [smem:$0x3FDB];
	s0 =	simm.s32 @p2 $0x1  }
0x17: {  	s4 =	simm.s32 $0x1BF5;
	[smem:$0x3FBB] =	sst s0  }
0x18: {  	s0 =	sld [smem:$0x3F9E];
	_ =	swait.ge [sflag:s4], $0x0  }
0x19: {  	s7 =	sld [smem:$0x3F9F]  }
0x1a: {  	s8 =	sadd.s32 $0xFFFFE003, lr  }
0x1b: {  	s9 =	sadd.s32 $0xFFFFFEF7, lr;
	s5 =	simm.s32 $0xFFFFFFFF;
	p2 =	slt.u32 s8, $0xFFFFF086  }
0x1c: {  	p1 =	slt.u32 s9, $0xF7A;
	s5 =	simm.s32 @!p2 $0x0  }
0x1d: {  	s5 =	simm.s32 @p1 $0x1;
	p0 =	seq.s32 s7, s2  }
0x1e: {  	s7 =	smul.u32 @!p0 $0xF7A, s2;
	p2 =	seq.s32 @!p0 s5, $0x0  }
0x1f: {  	s9 =	smul.u32 $0xF7A, s1;
	s8 =	simm.s32 @!p0 $0x1BF5;
	p2 =	por !p2, p0  }
0x20: {  	[sflag:s8] =	ssyncset.s32 @!p0 $0xFFFFF086;
	s6 =	sadd.s32 @!p0 s3, s7;
	s7 =	simm.s32 @!p0 $0x108  }
0x21: {  	s3 =	sadd.s32 s3, s9;
	s6 =	sadd.s32 @!p0 $0x88, s6;
	s7 =	simm.s32 @p2 $0x1082  }
0x22: {  	[simem:s7], [sflag:s8] =	dma.local @!p0 [hbm:s6], $0xF7A  }
0x23: {  	s9 =	sor.u32 $0xD0000000, s2;
	s6 =	simm.s32 $0x108;
	_ =	swait.ge @!p0 [sflag:s8], $0x0  }
0x24: {  	s3 =	sadd.s32 $0x88, s3;
	s6 =	simm.s32 @!p1 $0x1082;
	[sflag:s4] =	ssyncset.s32 $0xFFFFF086  }
0x25: {  	[simem:s6], [sflag:s4] =	dma.local [hbm:s3], $0xF7A  }
0x26: {  	[smem:$0x3F9F] =	sst s1;
	(tag) =	ssettag s2;
	_ =	strace s9  }
0x27: {  	s1 =	sld [smem:$0x3FAF]  }
0x28: {  	s2 =	sld [smem:$0x3FB0]  }
0x29: {  	s4 =	sld [smem:$0x3FB2]  }
0x2a: {  	p0 =	seq.s32 s5, $0x0;
	s5 =	sld [smem:$0x3FB3]  }
0x2b: {  	s6 =	sld [smem:$0x3FB4]  }
0x2c: {  	s7 =	sld [smem:$0x3FB5]  }
0x2d: {  	s3 =	simm.s32 $0x108;
	s8 =	sld [smem:$0x3FB6]  }
0x2e: {  	s3 =	simm.s32 @!p0 $0x1082;
	s9 =	sld [smem:$0x3FB7]  }
0x2f: {  	lr =	sadd.s32 s0, s3;
	s0 =	sld [smem:$0x3FAE]  }
0x30: {  	s3 =	sld [smem:$0x3FB1]  }
0x31: {  	[smem:$0x3FBA] =	sst s10  }
0x32: {  	s10 =	sld [smem:$0x3FB8];
	_ =	sdelay $0x3  }
0x33: {  	p0 =	seq.s32 s10, $0x1;
	s10 =	sld [smem:$0x3FBA];
	_ =	sdelay $0x3  }
0x34: {  	[smem:$0x3FBA] =	sst s10  }
0x35: {  	s10 =	sld [smem:$0x3FB9];
	_ =	sdelay $0x3  }
0x36: {  	p1 =	seq.s32 s10, $0x1;
	s10 =	sld [smem:$0x3FBA];
	_ =	sdelay $0x3  }
0x37: {  	[smem:$0x3FBA] =	sst s10  }
0x38: {  	s10 =	sld [smem:$0x3FBB]  }
0x39: {  	_ = 	snop;
	(pc) =	sbr.ind lr, $3  }
0x3a: {  	_ = 	snop  }
0x3b: {  	_ = 	snop  }
0x3c: {  	p2 =	seq.s32 s10, $0x1;
	s10 =	sld [smem:$0x3FBA]  }
0x3d: {  	_ =	shalt  }
0x3e: {  	_ =	shalt  }
0x3f: {  	_ =	shalt  }
0x40: {  	_ =	shalt  }
0x41: {  	_ =	shalt  }
0x42: {  	_ =	shalt  }
0x43: {  	_ =	shalt  }
0x44: {  	_ =	shalt  }
0x45: {  	_ =	shalt  }
0x46: {  	_ =	shalt  }
0x47: {  	_ =	shalt  }
0x48: {  	_ =	shalt  }
0x49: {  	_ =	shalt  }
0x4a: {  	_ =	shalt  }
0x4b: {  	_ =	shalt  }
0x4c: {  	_ =	shalt  }
0x4d: {  	_ =	shalt  }
0x4e: {  	_ =	shalt  }
0x4f: {  	_ =	shalt  }
0x50: {  	_ =	shalt  }
0x51: {  	_ =	shalt  }
0x52: {  	_ =	shalt  }
0x53: {  	_ =	shalt  }
0x54: {  	_ =	shalt  }
0x55: {  	_ =	shalt  }
0x56: {  	_ =	shalt  }
0x57: {  	_ =	shalt  }
0x58: {  	_ =	shalt  }
0x59: {  	_ =	shalt  }
0x5a: {  	_ =	shalt  }
0x5b: {  	_ =	shalt  }
0x5c: {  	_ =	shalt  }
0x5d: {  	_ =	shalt  }
0x5e: {  	_ =	shalt  }
0x5f: {  	_ =	shalt  }
0x60: {  	_ =	shalt  }
0x61: {  	_ =	shalt  }
0x62: {  	_ =	shalt  }
0x63: {  	_ =	shalt  }
0x64: {  	_ =	shalt  }
0x65: {  	_ =	shalt  }
0x66: {  	_ =	shalt  }
0x67: {  	_ =	shalt  }
0x68: {  	_ =	shalt  }
0x69: {  	_ =	shalt  }
0x6a: {  	_ =	shalt  }
0x6b: {  	_ =	shalt  }
0x6c: {  	_ =	shalt  }
0x6d: {  	_ =	shalt  }
0x6e: {  	_ =	shalt  }
0x6f: {  	_ =	shalt  }
0x70: {  	_ =	shalt  }
0x71: {  	_ =	shalt  }
0x72: {  	_ =	shalt  }
0x73: {  	_ =	shalt  }
0x74: {  	_ =	shalt  }
0x75: {  	_ =	shalt  }
0x76: {  	_ =	shalt  }
0x77: {  	_ =	shalt  }
0x78: {  	_ =	shalt  }
0x79: {  	_ =	shalt  }
0x7a: {  	_ =	shalt  }
0x7b: {  	_ =	shalt  }
0x7c: {  	_ =	shalt  }
0x7d: {  	_ =	shalt  }
0x7e: {  	_ =	shalt  }
0x7f: {  	_ =	shalt  }
0x80: {  	_ =	shalt  }
0x81: {  	_ =	shalt  }
0x82: {  	_ =	shalt  }
0x83: {  	_ =	shalt  }
0x84: {  	_ =	shalt  }
0x85: {  	_ =	shalt  }
0x86: {  	_ =	shalt  }
0x87: {  	_ =	shalt  }
.Lfunc_end0:
.L_simem_size_0:
called_computation_lowered:
.L_overlay_start_0:
0x88: {  	s2 =	sld [smem:$0x3FD9]  }
0x89: {  	s3 =	sld [smem:$0x3FFE];
	_ =	sdelay $0x1  }
0x8a: {  	s1 =	srdreg.scid  }
0x8b: {  	s0 =	sand.u32 $0x1, s1  }
0x8c: {  	s17 =	sshll.u32 s0, $0xA;
	s2 =	sadd.s32 s3, s2  }
0x8d: {  	s2 =	sadd.s32 s2, s17  }
0x8e: {  	[smem:$0x3FC6] =	sst s2  }
0x8f: {  	_ = 	snop  }
0x90: {  	s2 =	sld [smem:$0x3FC8]  }
0x91: {  	s18 =	sld [smem:$0x3FD0];
	(tm) =	ssettm $0x1  }
0x92: {  	s4 =	sld [smem:$0x3FFB];
	_ =	sdelay $0x3  }
0x93: {  	_ =	strace s4  }
0x94: {  	s4 =	sld [smem:$0x3FFC];
	_ =	sdelay $0x3  }
0x95: {  	_ =	strace s4  }
0x96: {  	s4 =	sld [smem:$0x3FFD];
	_ =	sdelay $0x3  }
0x97: {  	_ =	strace s4  }
0x98: {  	_ =	strace $0x8FFFFFFF  }
0x99: {  	s19 =	sld [smem:$0x3FDB];
	_ =	sdelay $0x1  }
0x9a: {  	s5 =	simm.s32 $_scs_section_size  }
0x9b: {  	s6 =	simm.s32 $_size__tile_overlayer_lowered;
	s7 =	simm.s32 $_tile_overlayer_lowered  }
0x9c: {  	s22 =	simm.s32 $0x1BFF;
	s21 =	sshll.u32 s7, $0x1;
	s4 =	sadd.s32 s5, s19  }
0x9d: {  	s8 =	simm.s32 $0x0;
	s20 =	sshll.u32 s6, $0x1;
	s6 =	sadd.s32 s21, s4  }
0x9e: {  	[timem:s8], [sflag:s22] =	dma.local [hbm:s6], s20  }
0x9f: {  	_ =	swait.ge [sflag:s22], s20  }
0xa0: {  	s5 =	ssub.s32 $0x0, s20;
	[sflag:s22] =	ssyncset.done $0x0  }
0xa1: {  	[sflag:s22] =	ssyncadd.s32 s5;
	_ =	sdelay $0x1  }
0xa2: {  	s23 =	simm.s32 $0x1B8B  }
0xa3: {  	_ =	swait.ge [sflag:s23], $0x1  }
0xa4: {  	[sflag:s23] =	ssyncset.done $0x0  }
0xa5: {  	s25 =	simm.s32 $0x1B8E;
	s24 =	sld [smem:$0x3FFE];
	[sflag:s23] =	ssyncadd.s32 $0xFFFFFFFF  }
0xa6: {  	s26 =	simm.s32 $execute0_lowered;
	[smem:$0x3FD2] =	sst s25  }
0xa7: {  	s6 =	sshll.u32 s26, $0x1;
	_ =	strace $0x80000046;
	[dreg:$0x1] =	wrdreg $0xFFFFFFFF  }
0xa8: {  	s28 =	simm.s32 $_size_execute0_lowered;
	s4 =	sadd.s32 s4, s6;
	[dreg:$0x0] =	wrdreg $0x0  }
0xa9: {  	s6 =	sshll.u32 s28, $0x1;
	[dreg:$0x2] =	wrdreg s4  }
0xaa: {  	[dreg:$0x3] =	wrdreg s6  }
0xab: {  	[dreg:$0x4] =	wrdreg $0xC0  }
0xac: {  	_ =	task [dreg:s8], $0x5FFFF  }
0xad: {  	[dreg:$0x1] =	wrdreg $0xFFFFFFFF  }
0xae: {  	[dreg:$0x0] =	wrdreg $0x60  }
0xaf: {  	[dreg:$0x2] =	wrdreg s2  }
0xb0: {  	[dreg:$0x3] =	wrdreg s24  }
0xb1: {  	[dreg:$0x4] =	wrdreg s18  }
0xb2: {  	[dreg:$0x5] =	wrdreg $0x9  }
0xb3: {  	_ =	task.clear_ibuf [dreg:s8], $0x6FFFF;
	_ =	strace $0x90000046  }
0xb4: {  	s29 =	simm.s32 $0x9;
	_ =	strace $0x80000048  }
0xb5: {  	_ =	swait.ge [sflag:s29], $0x1  }
0xb6: {  	[sflag:s29] =	ssyncadd.s32 $0xFFFFFFFF  }
0xb7: {  	_ =	strace $0x90000048  }
0xb8: {  	_ =	sfence  }
0xb9: {  	s30 =	sld [smem:$0x0];
	_ =	sdelay $0x2  }
0xba: {  	s31 =	sshll.u32 s1, $0xD;
	s1 =	sshrl.u32 s1, $0x2  }
0xbb: {  	s3 =	sand.u32 $0x4000, s31;
	s1 =	sadd.s32 s1, s30  }
0xbc: {  	s0 =	sor.u32 s3, s0;
	s1 =	sshll.u32 s1, $0x11  }
0xbd: {  	s0 =	sor.u32 s1, s0  }
0xbe: {  	s0 =	sadd.s32 $0x8F2B, s0  }
0xbf: {  	[sflag:s0] =	ssyncadd.remote.s32 $0x1  }
0xc0: {  	_ =	sfence.sel $0xFFFF  }
0xc1: {  	[dreg:$0x0] =	wrdreg $0xFFFFFFFF;
	(pc) =	sbr.abs _section_cstart, $3  }
0xc2: {  	[dreg:$0x1] =	wrdreg $0xFFFFFFFF  }
0xc3: {  	_ =	task.clear_ibuf [dreg:s8], $0x2FFFF;
	_ =	strace $0x9FFFFFFF  }
0xc4: {  	(tm) =	ssettm $0x7FFFFFFF  }
0xc5: {  	_ =	shalt  }
tec
execute0_lowered:
.L_overlay_start_1:
0x0: {  	(tag) =	ssettag $0x1  }
0x1: {  	s1 =	rddreg [dreg:$0x0]  }
0x2: {  	s0 =	rddreg [dreg:$0x1]  }
0x3: {  	s2 =	rddreg [dreg:$0x2]  }
0x4: {  	s4 =	srdreg.scid;
	s11 =	stileid.u32  }
0x5: {  	s3 =	simm.s32 $0x0;
	s16 =	simm.s32 $0x1;
	s17 =	simm.s32 $0x2  }
0x6: {  	s28 =	simm.s32 $0x6;
	s29 =	simm.s32 $0x7;
	s30 =	simm.s32 $0x3400  }
0x7: {  	s31 =	simm.s32 $0x13480;
	s13 =	simm.s32 $0x5;
	s14 =	simm.s32 $0x8  }
0x8: {  	s15 =	simm.s32 $0x9;
	s4 =	sand.u32 $0x1, s4;
	s19 =	smul.u32 $0x190000, s11  }
0x9: {  	s5 =	sshll.u32 s11, $0x1;
	[smem:$0x7FF] =	sst s3;
	s24 =	smul.u32 $0x32000, s11  }
0xa: {  	s7 =	sadd.s32 $0x400, s0;
	s0 =	sadd.s32 $0x6800, s0;
	s20 =	smul.u32 $0xC8000, s4  }
0xb: {  	s5 =	sor.u32 s4, s5;
	s8 =	ssub.s32 $0x2, s4;
	s4 =	smul.u32 $0x19000, s4  }
0xc: {  	_ =	strace $0x80000047;
	s6 =	smul.u32 $0x1900, s5;
	s9 =	sshrl.u32 s8, $0x1  }
0xd: {  	s5 =	smul.u32 $0x19000, s5;
	s26 =	sadd.s32 s24, s2;
	s24 =	simm.s32 $0xB480  }
0xe: {  	s8 =	ssub.s32 s8, s9;
	s23 =	sadd.s32 s20, s19;
	s12 =	sadd.s32 s4, s26  }
0xf: {  	s19 =	simm.s32 $0x3200;
	s20 =	simm.s32 $0x3480;
	s26 =	simm.s32 $0xF480  }
0x10: {  	s6 =	sshrl.u32 s6, $0x3;
	s21 =	smax.u32 s8, $0x1;
	s22 =	sadd.s32 s2, s5  }
0x11: {  	s5 =	sadd.s32 $0x10000, s23;
	s23 =	simm.s32 $0x3300;
	s18 =	sadd.s32 s7, s6  }
0x12: {  	s10 =	sadd.s32 s0, s6;
	s6 =	sadd.s32 $0x50, s6;
	[dreg:$0x8] =	wrdreg s21  }
0x13: {  	s9 =	sadd.s32 $0x17000, s22;
	s25 =	sshrl.u32 s5, $0x3;
	[dreg:$0x4] =	wrdreg s18  }
.Ltmp0:
0x14: {  	s21 =	simm.s32 $0x3280;
	[dreg:$0x5] =	wrdreg s10;
	(pc) =	sbr.rel .LBB2_1-.Ltmp0, $4  }
0x15: {  	s7 =	sadd.s32 s7, s6;
	s0 =	sadd.s32 s0, s6;
	s10 =	sadd.s32 $0x18000, s22  }
0x16: {  	s11 =	sadd.s32 s25, s2;
	s18 =	simm.s32 $0x80;
	s22 =	simm.s32 $0x7480  }
0x17: {  	s25 =	simm.s32 $0x3380;
	s2 =	simm.s32 $0x4;
	[dreg:$0x6] =	wrdreg s7  }
0x18: {  	s6 =	simm.s32 $0x0;
	[dreg:$0x7] =	wrdreg s0;
	s0 =	simm.s32 $0x3  }
.LBB2_9:
0x19: {  	_ =	swait.ge [sflag:s28], $0x4000  }
0x1a: {  	[sflag:s28] =	ssyncset.done $0x0  }
0x1b: {  	[sflag:s28] =	ssyncadd.s32 $0xFFFFC000  }
0x1c: {  	_ =	swait.ge [sflag:s29], $0x4000  }
0x1d: {  	[sflag:s29] =	ssyncset.done $0x0  }
0x1e: {  	[sflag:s29] =	ssyncadd.s32 $0xFFFFC000  }
0x1f: {  	_ =	swait.ge [sflag:s14], $0x4000  }
0x20: {  	[sflag:s14] =	ssyncset.done $0x0  }
0x21: {  	[sflag:s14] =	ssyncadd.s32 $0xFFFFC000  }
0x22: {  	_ =	swait.ge [sflag:s15], $0x4000  }
0x23: {  	[sflag:s15] =	ssyncset.done $0x0  }
0x24: {  	s5 =	simm.s32 $0xA;
	[sflag:s15] =	ssyncadd.s32 $0xFFFFC000  }
0x25: {  	_ =	swait.ge [sflag:s5], $0x4000  }
0x26: {  	s6 =	rddreg [dreg:$0x9]  }
0x27: {  	s4 =	rddreg [dreg:$0x8];
	s6 =	sadd.s32 $0x1, s6  }
0x28: {  	p0 =	sne.s32 s6, s4  }
.Ltmp1:
0x29: {  	_ = 	snop;
	(pc) =	sbr.rel @!p0 .LBB2_10-.Ltmp1, $3  }
0x2a: {  	_ =	sdelay $0x1  }
0x2b: {  	[sflag:s5] =	ssyncset.done $0x0  }
0x2c: {  	[sflag:s5] =	ssyncadd.s32 $0xFFFFC000  }
.LBB2_1:
0x2d: {  	[dreg:$0x9] =	wrdreg s6  }
0x2e: {  	s4 =	rddreg [dreg:$0x4]  }
0x2f: {  	[tilespmem:s3], [sflag:$0x1] =	stream.linear.gather [hbm4b:s4+s3], $0x280, $0x38;
	[tilespmem:$0x17480] =	vst v63  }
0x30: {  	s8 =	rddreg [dreg:$0x5];
	s5 =	simm.s32 $0x1900  }
0x31: {  	[tilespmem:s5], [sflag:$0x2] =	stream.linear.gather [hbm4b:s8+s3], $0x280, $0x38;
	[tilespmem:$0x17480] =	vst v63  }
0x32: {  	s6 =	simm.s32 $0x280;
	s5 =	rddreg [dreg:$0x6]  }
0x33: {  	[tilespmem:s6], [sflag:$0x6] =	stream.linear.gather [hbm4b:s5+s3], $0x1680, $0x38;
	[tilespmem:$0x17480] =	vst v63  }
0x34: {  	s7 =	rddreg [dreg:$0x7];
	s8 =	simm.s32 $0x1B80  }
0x35: {  	[tilespmem:s8], [sflag:$0x7] =	stream.linear.gather [hbm4b:s7+s3], $0x1680, $0x38;
	[tilespmem:$0x17480] =	vst v63  }
0x36: {  	_ =	swait.ge [sflag:s16], $0x280  }
0x37: {  	[sflag:s16] =	ssyncset.done $0x0  }
0x38: {  	[sflag:s16] =	ssyncadd.s32 $0xFFFFFD80  }
0x39: {  	_ =	swait.ge [sflag:s17], $0x280  }
0x3a: {  	[sflag:s17] =	ssyncset.done $0x0  }
0x3b: {  	[sflag:s17] =	ssyncadd.s32 $0xFFFFFD80  }
0x3c: {  	v0 =	vld [tilespmem:$0x0]  }
0x3d: {  	v1 =	vld [tilespmem:$0x1900]  }
0x3e: {  	v2 =	vld [tilespmem:$0x10]  }
0x3f: {  	v3 =	vld [tilespmem:$0x1910]  }
0x40: {  	v4 =	vld [tilespmem:$0x20]  }
0x41: {  	v5 =	vld [tilespmem:$0x1920]  }
0x42: {  	v6 =	vld [tilespmem:$0x30]  }
0x43: {  	v7 =	vld [tilespmem:$0x1930]  }
0x44: {  	v8 =	vld [tilespmem:$0x40]  }
0x45: {  	v9 =	vld [tilespmem:$0x1940]  }
0x46: {  	v10 =	vld [tilespmem:$0x50]  }
0x47: {  	v11 =	vld [tilespmem:$0x1950]  }
0x48: {  	v12 =	vld [tilespmem:$0x60]  }
0x49: {  	v36 =	vld [tilespmem:$0x1960];
	v0 =	vadd.s32 v0, v1  }
0x4a: {  	v38 =	vld [tilespmem:$0x70];
	v37 =	vadd.s32 v2, v3;
	[tilespmem:$0x3200] =	vst v0  }
0x4b: {  	v40 =	vld [tilespmem:$0x1970];
	v39 =	vadd.s32 v4, v5;
	[tilespmem:$0x3210] =	vst v37  }
0x4c: {  	v41 =	vadd.s32 v6, v7;
	[tilespmem:$0x3220] =	vst v39  }
0x4d: {  	v42 =	vadd.s32 v8, v9;
	[tilespmem:$0x3230] =	vst v41  }
0x4e: {  	v43 =	vadd.s32 v10, v11;
	[tilespmem:$0x3240] =	vst v42  }
0x4f: {  	v44 =	vadd.s32 v12, v36;
	[tilespmem:$0x3250] =	vst v43  }
0x50: {  	v45 =	vadd.s32 v38, v40;
	[tilespmem:$0x3260] =	vst v44  }
0x51: {  	[tilespmem:$0x3270] =	vst v45  }
0x52: {  	[tilespmem:s20], [sflag:$0x1] =	stream.indirect.gather [hbm4b:s1+s18], $0x80, s19, s18, $0xb8;
	[tilespmem:$0x17480] =	vst v63  }
0x53: {  	v46 =	vld [tilespmem:$0x80]  }
0x54: {  	v47 =	vld [tilespmem:$0x1980]  }
0x55: {  	v48 =	vld [tilespmem:$0x90]  }
0x56: {  	v49 =	vld [tilespmem:$0x1990]  }
0x57: {  	v50 =	vld [tilespmem:$0xA0]  }
0x58: {  	v51 =	vld [tilespmem:$0x19A0]  }
0x59: {  	v52 =	vld [tilespmem:$0xB0]  }
0x5a: {  	v53 =	vld [tilespmem:$0x19B0]  }
0x5b: {  	v54 =	vld [tilespmem:$0xC0]  }
0x5c: {  	v55 =	vld [tilespmem:$0x19C0]  }
0x5d: {  	v56 =	vld [tilespmem:$0xD0]  }
0x5e: {  	v57 =	vld [tilespmem:$0x19D0]  }
0x5f: {  	v58 =	vld [tilespmem:$0xE0]  }
0x60: {  	v59 =	vld [tilespmem:$0x19E0];
	v0 =	vadd.s32 v46, v47  }
0x61: {  	v61 =	vld [tilespmem:$0xF0];
	v60 =	vadd.s32 v48, v49;
	[tilespmem:$0x3280] =	vst v0  }
0x62: {  	v63 =	vld [tilespmem:$0x19F0];
	v62 =	vadd.s32 v50, v51;
	[tilespmem:$0x3290] =	vst v60  }
0x63: {  	v13 =	vadd.s32 v52, v53;
	[tilespmem:$0x32A0] =	vst v62  }
0x64: {  	v14 =	vadd.s32 v54, v55;
	[tilespmem:$0x32B0] =	vst v13  }
0x65: {  	v15 =	vadd.s32 v56, v57;
	[tilespmem:$0x32C0] =	vst v14  }
0x66: {  	v16 =	vadd.s32 v58, v59;
	[tilespmem:$0x32D0] =	vst v15  }
0x67: {  	v17 =	vadd.s32 v61, v63;
	[tilespmem:$0x32E0] =	vst v16  }
0x68: {  	[tilespmem:$0x32F0] =	vst v17  }
0x69: {  	[tilespmem:s22], [sflag:$0x2] =	stream.indirect.gather [hbm4b:s1+s18], $0x80, s21, s18, $0xb8;
	[tilespmem:$0x17480] =	vst v63  }
0x6a: {  	v18 =	vld [tilespmem:$0x100]  }
0x6b: {  	v19 =	vld [tilespmem:$0x1A00]  }
0x6c: {  	v20 =	vld [tilespmem:$0x110]  }
0x6d: {  	v21 =	vld [tilespmem:$0x1A10]  }
0x6e: {  	v22 =	vld [tilespmem:$0x120]  }
0x6f: {  	v23 =	vld [tilespmem:$0x1A20]  }
0x70: {  	v24 =	vld [tilespmem:$0x130]  }
0x71: {  	v25 =	vld [tilespmem:$0x1A30]  }
0x72: {  	v26 =	vld [tilespmem:$0x140]  }
0x73: {  	v27 =	vld [tilespmem:$0x1A40]  }
0x74: {  	v28 =	vld [tilespmem:$0x150]  }
0x75: {  	v29 =	vld [tilespmem:$0x1A50]  }
0x76: {  	v30 =	vld [tilespmem:$0x160]  }
0x77: {  	v31 =	vld [tilespmem:$0x1A60];
	v0 =	vadd.s32 v18, v19  }
0x78: {  	v33 =	vld [tilespmem:$0x170];
	v32 =	vadd.s32 v20, v21;
	[tilespmem:$0x3300] =	vst v0  }
0x79: {  	v35 =	vld [tilespmem:$0x1A70];
	v34 =	vadd.s32 v22, v23;
	[tilespmem:$0x3310] =	vst v32  }
0x7a: {  	v36 =	vadd.s32 v24, v25;
	[tilespmem:$0x3320] =	vst v34  }
0x7b: {  	v37 =	vadd.s32 v26, v27;
	[tilespmem:$0x3330] =	vst v36  }
0x7c: {  	v38 =	vadd.s32 v28, v29;
	[tilespmem:$0x3340] =	vst v37  }
0x7d: {  	v39 =	vadd.s32 v30, v31;
	[tilespmem:$0x3350] =	vst v38  }
0x7e: {  	v40 =	vadd.s32 v33, v35;
	[tilespmem:$0x3360] =	vst v39  }
0x7f: {  	[tilespmem:$0x3370] =	vst v40  }
0x80: {  	[tilespmem:s24], [sflag:$0x3] =	stream.indirect.gather [hbm4b:s1+s18], $0x80, s23, s18, $0xb8;
	[tilespmem:$0x17480] =	vst v63  }
0x81: {  	v41 =	vld [tilespmem:$0x180]  }
0x82: {  	v42 =	vld [tilespmem:$0x1A80]  }
0x83: {  	v43 =	vld [tilespmem:$0x190]  }
0x84: {  	v44 =	vld [tilespmem:$0x1A90]  }
0x85: {  	v45 =	vld [tilespmem:$0x1A0]  }
0x86: {  	v46 =	vld [tilespmem:$0x1AA0]  }
0x87: {  	v47 =	vld [tilespmem:$0x1B0]  }
0x88: {  	v48 =	vld [tilespmem:$0x1AB0]  }
0x89: {  	v49 =	vld [tilespmem:$0x1C0]  }
0x8a: {  	v50 =	vld [tilespmem:$0x1AC0]  }
0x8b: {  	v51 =	vld [tilespmem:$0x1D0]  }
0x8c: {  	v52 =	vld [tilespmem:$0x1AD0]  }
0x8d: {  	v53 =	vld [tilespmem:$0x1E0]  }
0x8e: {  	v54 =	vld [tilespmem:$0x1AE0];
	v0 =	vadd.s32 v41, v42  }
0x8f: {  	v56 =	vld [tilespmem:$0x1F0];
	v55 =	vadd.s32 v43, v44;
	[tilespmem:$0x3380] =	vst v0  }
0x90: {  	v58 =	vld [tilespmem:$0x1AF0];
	v57 =	vadd.s32 v45, v46;
	[tilespmem:$0x3390] =	vst v55  }
0x91: {  	v59 =	vadd.s32 v47, v48;
	[tilespmem:$0x33A0] =	vst v57  }
0x92: {  	v60 =	vadd.s32 v49, v50;
	[tilespmem:$0x33B0] =	vst v59  }
0x93: {  	v61 =	vadd.s32 v51, v52;
	[tilespmem:$0x33C0] =	vst v60  }
0x94: {  	v62 =	vadd.s32 v53, v54;
	[tilespmem:$0x33D0] =	vst v61  }
0x95: {  	v63 =	vadd.s32 v56, v58;
	[tilespmem:$0x33E0] =	vst v62  }
0x96: {  	[tilespmem:$0x33F0] =	vst v63  }
0x97: {  	[tilespmem:s26], [sflag:$0x4] =	stream.indirect.gather [hbm4b:s1+s18], $0x80, s25, s18, $0xb8;
	[tilespmem:$0x17480] =	vst v63  }
0x98: {  	_ =	swait.ge [sflag:s28], $0x1680  }
.Ltmp2:
0x99: {  	[sflag:s28] =	ssyncset.done $0x0;
	(pc) =	sbr.rel .LBB2_2-.Ltmp2, $4  }
0x9a: {  	[sflag:s28] =	ssyncadd.s32 $0xFFFFE980  }
0x9b: {  	_ =	swait.ge [sflag:s29], $0x1680  }
0x9c: {  	s6 =	simm.s32 $0x1B40;
	[sflag:s29] =	ssyncset.done $0x0  }
0x9d: {  	s7 =	simm.s32 $0x240;
	s8 =	simm.s32 $0x0;
	[sflag:s29] =	ssyncadd.s32 $0xFFFFE980  }
.LBB2_7:
0x9e: {  	_ =	swait.ge [sflag:s2], $0x4000  }
0x9f: {  	[sflag:s2] =	ssyncset.done $0x0  }
0xa0: {  	[sflag:s2] =	ssyncadd.s32 $0xFFFFC000  }
0xa1: {  	[hbm4b:s10+s3] =	stream.linear.scatter [tilespmem:s26], [sflag:$0x9], $0x4000, $0x38;
	[tilespmem:$0x17480] =	vst v63  }
.LBB2_8:
0xa2: {  	s4 =	sadd.s32 s8, s11;
	s8 =	sadd.s32 $0x2800, s8  }
0xa3: {  	p0 =	sne.s32 s8, $0x19000  }
.Ltmp3:
0xa4: {  	_ = 	snop;
	(pc) =	sbr.rel @!p0 .LBB2_9-.Ltmp3, $4  }
0xa5: {  	_ =	swait.ge [sflag:s13], $0x4000  }
0xa6: {  	[sflag:s13] =	ssyncset.done $0x0  }
0xa7: {  	s6 =	sadd.s32 $0x280, s6;
	s7 =	sadd.s32 $0x280, s7;
	[sflag:s13] =	ssyncadd.s32 $0xFFFFC000  }
0xa8: {  	[hbm4b:s4+s3] =	stream.linear.scatter [tilespmem:s31], [sflag:$0xA], $0x4000, $0x38;
	[tilespmem:$0x17480] =	vst v63  }
.LBB2_2:
0xa9: {  	p0 =	seq.s32 s8, $0x0  }
0xaa: {  	s4 =	simm.s32 @!p0 $0xA  }
0xab: {  	_ =	swait.ge @!p0 [sflag:s4], $0x4000  }
0xac: {  	[sflag:s4] =	ssyncset.done @!p0 $0x0  }
0xad: {  	[sflag:s4] =	ssyncadd.s32 @!p0 $0xFFFFC000  }
0xae: {  	v0 =	vld [tilespmem:s7+$0xFFFFFFC0]  }
0xaf: {  	v1 =	vld [tilespmem:s6+$0xFFFFFFC0];
	_ =	sdelay $0x4  }
0xb0: {  	v0 =	vadd.s32 v0, v1  }
0xb1: {  	[tilespmem:$0x3400] =	vst v0  }
0xb2: {  	v0 =	vld [tilespmem:s7+$0xFFFFFFD0]  }
0xb3: {  	v57 =	vld [tilespmem:s6+$0xFFFFFFD0];
	_ =	sdelay $0x4  }
0xb4: {  	v0 =	vadd.s32 v0, v57  }
0xb5: {  	[tilespmem:$0x3410] =	vst v0  }
0xb6: {  	v0 =	vld [tilespmem:s7+$0xFFFFFFE0]  }
0xb7: {  	v58 =	vld [tilespmem:s6+$0xFFFFFFE0];
	_ =	sdelay $0x4  }
0xb8: {  	v0 =	vadd.s32 v0, v58  }
0xb9: {  	[tilespmem:$0x3420] =	vst v0  }
0xba: {  	v0 =	vld [tilespmem:s7+$0xFFFFFFF0]  }
0xbb: {  	v59 =	vld [tilespmem:s6+$0xFFFFFFF0];
	_ =	sdelay $0x4  }
0xbc: {  	v0 =	vadd.s32 v0, v59  }
0xbd: {  	[tilespmem:$0x3430] =	vst v0  }
0xbe: {  	v0 =	vld [tilespmem:s7+$0x0]  }
0xbf: {  	v60 =	vld [tilespmem:s6+$0x0];
	_ =	sdelay $0x4  }
0xc0: {  	v0 =	vadd.s32 v0, v60  }
0xc1: {  	[tilespmem:$0x3440] =	vst v0  }
0xc2: {  	v0 =	vld [tilespmem:s7+$0x10]  }
0xc3: {  	v61 =	vld [tilespmem:s6+$0x10];
	_ =	sdelay $0x4  }
0xc4: {  	v0 =	vadd.s32 v0, v61  }
0xc5: {  	[tilespmem:$0x3450] =	vst v0  }
0xc6: {  	v0 =	vld [tilespmem:s7+$0x20]  }
0xc7: {  	v62 =	vld [tilespmem:s6+$0x20];
	_ =	sdelay $0x4  }
0xc8: {  	v0 =	vadd.s32 v0, v62  }
0xc9: {  	[tilespmem:$0x3460] =	vst v0  }
0xca: {  	v0 =	vld [tilespmem:s7+$0x30]  }
0xcb: {  	v63 =	vld [tilespmem:s6+$0x30];
	_ =	sdelay $0x4  }
0xcc: {  	v0 =	vadd.s32 v0, v63  }
0xcd: {  	p0 =	seq.s32 s8, $0x16800;
	[tilespmem:$0x3470] =	vst v0  }
0xce: {  	[tilespmem:s31], [sflag:$0x5] =	stream.indirect.gather [hbm4b:s1+s18], $0x80, s30, s18, $0xb8;
	[tilespmem:$0x17480] =	vst v63  }
.Ltmp4:
0xcf: {  	_ = 	snop;
	(pc) =	sbr.rel @!p0 .LBB2_3-.Ltmp4, $4  }
0xd0: {  	_ =	swait.ge [sflag:s16], $0x4000  }
0xd1: {  	[sflag:s16] =	ssyncset.done $0x0  }
0xd2: {  	s4 =	sadd.s32 s8, s12;
	[sflag:s16] =	ssyncadd.s32 $0xFFFFC000  }
0xd3: {  	[hbm4b:s4+s3] =	stream.linear.scatter [tilespmem:s20], [sflag:$0x6], $0x4000, $0x38;
	[tilespmem:$0x17480] =	vst v63  }
.Ltmp5:
0xd4: {  	(pc) =	sbr.rel .LBB2_5-.Ltmp5, $4  }
0xd5: {  	_ =	swait.ge [sflag:s17], $0x4000  }
0xd6: {  	[sflag:s17] =	ssyncset.done $0x0  }
0xd7: {  	[sflag:s17] =	ssyncadd.s32 $0xFFFFC000  }
0xd8: {  	[hbm4b:s9+s3] =	stream.linear.scatter [tilespmem:s22], [sflag:$0x7], $0x4000, $0x38;
	[tilespmem:$0x17480] =	vst v63  }
.LBB2_3:
0xd9: {  	_ =	swait.ge [sflag:s28], $0x4000  }
0xda: {  	[sflag:s28] =	ssyncset.done $0x0  }
0xdb: {  	[sflag:s28] =	ssyncadd.s32 $0xFFFFC000  }
0xdc: {  	v0 =	vld [tilespmem:s7+$0x40]  }
0xdd: {  	v1 =	vld [tilespmem:s6+$0x40];
	_ =	sdelay $0x4  }
0xde: {  	v0 =	vadd.s32 v0, v1  }
0xdf: {  	[tilespmem:$0x3200] =	vst v0  }
0xe0: {  	v0 =	vld [tilespmem:s7+$0x50]  }
0xe1: {  	v48 =	vld [tilespmem:s6+$0x50];
	_ =	sdelay $0x4  }
0xe2: {  	v0 =	vadd.s32 v0, v48  }
0xe3: {  	[tilespmem:$0x3210] =	vst v0  }
0xe4: {  	v0 =	vld [tilespmem:s7+$0x60]  }
0xe5: {  	v49 =	vld [tilespmem:s6+$0x60];
	_ =	sdelay $0x4  }
0xe6: {  	v0 =	vadd.s32 v0, v49  }
0xe7: {  	[tilespmem:$0x3220] =	vst v0  }
0xe8: {  	v0 =	vld [tilespmem:s7+$0x70]  }
0xe9: {  	v50 =	vld [tilespmem:s6+$0x70];
	_ =	sdelay $0x4  }
0xea: {  	v0 =	vadd.s32 v0, v50  }
0xeb: {  	[tilespmem:$0x3230] =	vst v0  }
0xec: {  	v0 =	vld [tilespmem:s7+$0x80]  }
0xed: {  	v51 =	vld [tilespmem:s6+$0x80];
	_ =	sdelay $0x4  }
0xee: {  	v0 =	vadd.s32 v0, v51  }
0xef: {  	[tilespmem:$0x3240] =	vst v0  }
0xf0: {  	v0 =	vld [tilespmem:s7+$0x90]  }
0xf1: {  	v52 =	vld [tilespmem:s6+$0x90];
	_ =	sdelay $0x4  }
0xf2: {  	v0 =	vadd.s32 v0, v52  }
0xf3: {  	[tilespmem:$0x3250] =	vst v0  }
0xf4: {  	v0 =	vld [tilespmem:s7+$0xA0]  }
0xf5: {  	v53 =	vld [tilespmem:s6+$0xA0];
	_ =	sdelay $0x4  }
0xf6: {  	v0 =	vadd.s32 v0, v53  }
0xf7: {  	[tilespmem:$0x3260] =	vst v0  }
0xf8: {  	v0 =	vld [tilespmem:s7+$0xB0]  }
0xf9: {  	v54 =	vld [tilespmem:s6+$0xB0];
	_ =	sdelay $0x4  }
0xfa: {  	v0 =	vadd.s32 v0, v54  }
0xfb: {  	[tilespmem:$0x3270] =	vst v0  }
0xfc: {  	[tilespmem:s20], [sflag:$0x1] =	stream.indirect.gather [hbm4b:s1+s18], $0x80, s19, s18, $0xb8;
	[tilespmem:$0x17480] =	vst v63  }
0xfd: {  	_ =	swait.ge [sflag:s17], $0x4000  }
0xfe: {  	[sflag:s17] =	ssyncset.done $0x0  }
0xff: {  	s5 =	sadd.s32 $0x800, s4;
	[sflag:s17] =	ssyncadd.s32 $0xFFFFC000  }
0x100: {  	[hbm4b:s5+s3] =	stream.linear.scatter [tilespmem:s22], [sflag:$0x7], $0x4000, $0x38;
	[tilespmem:$0x17480] =	vst v63  }
0x101: {  	_ =	swait.ge [sflag:s29], $0x4000  }
0x102: {  	[sflag:s29] =	ssyncset.done $0x0  }
0x103: {  	[sflag:s29] =	ssyncadd.s32 $0xFFFFC000  }
0x104: {  	v55 =	vld [tilespmem:s7+$0xC0]  }
0x105: {  	v56 =	vld [tilespmem:s6+$0xC0];
	_ =	sdelay $0x4  }
0x106: {  	v0 =	vadd.s32 v55, v56  }
0x107: {  	[tilespmem:$0x3280] =	vst v0  }
0x108: {  	v0 =	vld [tilespmem:s7+$0xD0]  }
0x109: {  	v57 =	vld [tilespmem:s6+$0xD0];
	_ =	sdelay $0x4  }
0x10a: {  	v0 =	vadd.s32 v0, v57  }
0x10b: {  	[tilespmem:$0x3290] =	vst v0  }
0x10c: {  	v0 =	vld [tilespmem:s7+$0xE0]  }
0x10d: {  	v58 =	vld [tilespmem:s6+$0xE0];
	_ =	sdelay $0x4  }
0x10e: {  	v0 =	vadd.s32 v0, v58  }
0x10f: {  	[tilespmem:$0x32A0] =	vst v0  }
0x110: {  	v0 =	vld [tilespmem:s7+$0xF0]  }
0x111: {  	v59 =	vld [tilespmem:s6+$0xF0];
	_ =	sdelay $0x4  }
0x112: {  	v0 =	vadd.s32 v0, v59  }
0x113: {  	[tilespmem:$0x32B0] =	vst v0  }
0x114: {  	v0 =	vld [tilespmem:s7+$0x100]  }
0x115: {  	v60 =	vld [tilespmem:s6+$0x100];
	_ =	sdelay $0x4  }
0x116: {  	v0 =	vadd.s32 v0, v60  }
0x117: {  	[tilespmem:$0x32C0] =	vst v0  }
0x118: {  	v0 =	vld [tilespmem:s7+$0x110]  }
0x119: {  	v61 =	vld [tilespmem:s6+$0x110];
	_ =	sdelay $0x4  }
0x11a: {  	v0 =	vadd.s32 v0, v61  }
0x11b: {  	[tilespmem:$0x32D0] =	vst v0  }
0x11c: {  	v0 =	vld [tilespmem:s7+$0x120]  }
0x11d: {  	v62 =	vld [tilespmem:s6+$0x120];
	_ =	sdelay $0x4  }
0x11e: {  	v0 =	vadd.s32 v0, v62  }
0x11f: {  	[tilespmem:$0x32E0] =	vst v0  }
0x120: {  	v0 =	vld [tilespmem:s7+$0x130]  }
0x121: {  	v63 =	vld [tilespmem:s6+$0x130];
	_ =	sdelay $0x4  }
0x122: {  	v0 =	vadd.s32 v0, v63  }
0x123: {  	[tilespmem:$0x32F0] =	vst v0  }
0x124: {  	[tilespmem:s22], [sflag:$0x2] =	stream.indirect.gather [hbm4b:s1+s18], $0x80, s21, s18, $0xb8;
	[tilespmem:$0x17480] =	vst v63  }
.LBB2_5:
.Ltmp6:
0x125: {  	(pc) =	sbr.rel @p0 .LBB2_7-.Ltmp6, $4  }
0x126: {  	_ =	swait.ge [sflag:s0], $0x4000  }
0x127: {  	[sflag:s0] =	ssyncset.done $0x0  }
0x128: {  	s5 =	sadd.s32 $0x1000, s4;
	[sflag:s0] =	ssyncadd.s32 $0xFFFFC000  }
0x129: {  	[hbm4b:s5+s3] =	stream.linear.scatter [tilespmem:s24], [sflag:$0x8], $0x4000, $0x38;
	[tilespmem:$0x17480] =	vst v63  }
0x12a: {  	_ =	swait.ge [sflag:s14], $0x4000  }
0x12b: {  	[sflag:s14] =	ssyncset.done $0x0  }
0x12c: {  	[sflag:s14] =	ssyncadd.s32 $0xFFFFC000  }
0x12d: {  	v0 =	vld [tilespmem:s7+$0x140]  }
0x12e: {  	v1 =	vld [tilespmem:s6+$0x140];
	_ =	sdelay $0x4  }
0x12f: {  	v0 =	vadd.s32 v0, v1  }
0x130: {  	[tilespmem:$0x3300] =	vst v0  }
0x131: {  	v0 =	vld [tilespmem:s7+$0x150]  }
0x132: {  	v48 =	vld [tilespmem:s6+$0x150];
	_ =	sdelay $0x4  }
0x133: {  	v0 =	vadd.s32 v0, v48  }
0x134: {  	[tilespmem:$0x3310] =	vst v0  }
0x135: {  	v0 =	vld [tilespmem:s7+$0x160]  }
0x136: {  	v49 =	vld [tilespmem:s6+$0x160];
	_ =	sdelay $0x4  }
0x137: {  	v0 =	vadd.s32 v0, v49  }
0x138: {  	[tilespmem:$0x3320] =	vst v0  }
0x139: {  	v0 =	vld [tilespmem:s7+$0x170]  }
0x13a: {  	v50 =	vld [tilespmem:s6+$0x170];
	_ =	sdelay $0x4  }
0x13b: {  	v0 =	vadd.s32 v0, v50  }
0x13c: {  	[tilespmem:$0x3330] =	vst v0  }
0x13d: {  	v0 =	vld [tilespmem:s7+$0x180]  }
0x13e: {  	v51 =	vld [tilespmem:s6+$0x180];
	_ =	sdelay $0x4  }
0x13f: {  	v0 =	vadd.s32 v0, v51  }
0x140: {  	[tilespmem:$0x3340] =	vst v0  }
0x141: {  	v0 =	vld [tilespmem:s7+$0x190]  }
0x142: {  	v52 =	vld [tilespmem:s6+$0x190];
	_ =	sdelay $0x4  }
0x143: {  	v0 =	vadd.s32 v0, v52  }
0x144: {  	[tilespmem:$0x3350] =	vst v0  }
0x145: {  	v0 =	vld [tilespmem:s7+$0x1A0]  }
0x146: {  	v53 =	vld [tilespmem:s6+$0x1A0];
	_ =	sdelay $0x4  }
0x147: {  	v0 =	vadd.s32 v0, v53  }
0x148: {  	[tilespmem:$0x3360] =	vst v0  }
0x149: {  	v0 =	vld [tilespmem:s7+$0x1B0]  }
0x14a: {  	v54 =	vld [tilespmem:s6+$0x1B0];
	_ =	sdelay $0x4  }
0x14b: {  	v0 =	vadd.s32 v0, v54  }
0x14c: {  	[tilespmem:$0x3370] =	vst v0  }
0x14d: {  	[tilespmem:s24], [sflag:$0x3] =	stream.indirect.gather [hbm4b:s1+s18], $0x80, s23, s18, $0xb8;
	[tilespmem:$0x17480] =	vst v63  }
0x14e: {  	_ =	swait.ge [sflag:s2], $0x4000  }
0x14f: {  	[sflag:s2] =	ssyncset.done $0x0  }
0x150: {  	s4 =	sadd.s32 $0x1800, s4;
	[sflag:s2] =	ssyncadd.s32 $0xFFFFC000  }
0x151: {  	[hbm4b:s4+s3] =	stream.linear.scatter [tilespmem:s26], [sflag:$0x9], $0x4000, $0x38;
	[tilespmem:$0x17480] =	vst v63  }
0x152: {  	_ =	swait.ge [sflag:s15], $0x4000  }
0x153: {  	[sflag:s15] =	ssyncset.done $0x0  }
0x154: {  	[sflag:s15] =	ssyncadd.s32 $0xFFFFC000  }
0x155: {  	v55 =	vld [tilespmem:s7+$0x1C0]  }
0x156: {  	v56 =	vld [tilespmem:s6+$0x1C0];
	_ =	sdelay $0x4  }
0x157: {  	v0 =	vadd.s32 v55, v56  }
0x158: {  	[tilespmem:$0x3380] =	vst v0  }
0x159: {  	v0 =	vld [tilespmem:s7+$0x1D0]  }
0x15a: {  	v57 =	vld [tilespmem:s6+$0x1D0];
	_ =	sdelay $0x4  }
0x15b: {  	v0 =	vadd.s32 v0, v57  }
0x15c: {  	[tilespmem:$0x3390] =	vst v0  }
0x15d: {  	v0 =	vld [tilespmem:s7+$0x1E0]  }
0x15e: {  	v58 =	vld [tilespmem:s6+$0x1E0];
	_ =	sdelay $0x4  }
0x15f: {  	v0 =	vadd.s32 v0, v58  }
0x160: {  	[tilespmem:$0x33A0] =	vst v0  }
0x161: {  	v0 =	vld [tilespmem:s7+$0x1F0]  }
0x162: {  	v59 =	vld [tilespmem:s6+$0x1F0];
	_ =	sdelay $0x4  }
0x163: {  	v0 =	vadd.s32 v0, v59  }
0x164: {  	[tilespmem:$0x33B0] =	vst v0  }
0x165: {  	v0 =	vld [tilespmem:s7+$0x200]  }
0x166: {  	v60 =	vld [tilespmem:s6+$0x200];
	_ =	sdelay $0x4  }
0x167: {  	v0 =	vadd.s32 v0, v60  }
0x168: {  	[tilespmem:$0x33C0] =	vst v0  }
0x169: {  	v0 =	vld [tilespmem:s7+$0x210]  }
0x16a: {  	v61 =	vld [tilespmem:s6+$0x210];
	_ =	sdelay $0x4  }
0x16b: {  	v0 =	vadd.s32 v0, v61  }
0x16c: {  	[tilespmem:$0x33D0] =	vst v0  }
0x16d: {  	v0 =	vld [tilespmem:s7+$0x220]  }
0x16e: {  	v62 =	vld [tilespmem:s6+$0x220];
	_ =	sdelay $0x4  }
0x16f: {  	v0 =	vadd.s32 v0, v62  }
0x170: {  	[tilespmem:$0x33E0] =	vst v0  }
0x171: {  	v0 =	vld [tilespmem:s7+$0x230]  }
0x172: {  	v63 =	vld [tilespmem:s6+$0x230];
	_ =	sdelay $0x2  }
.Ltmp7:
0x173: {  	_ = 	snop;
	(pc) =	sbr.rel .LBB2_8-.Ltmp7, $4  }
0x174: {  	_ = 	snop  }
0x175: {  	v0 =	vadd.s32 v0, v63  }
0x176: {  	[tilespmem:$0x33F0] =	vst v0  }
0x177: {  	[tilespmem:s26], [sflag:$0x4] =	stream.indirect.gather [hbm4b:s1+s18], $0x80, s25, s18, $0xb8;
	[tilespmem:$0x17480] =	vst v63  }
.LBB2_10:
0x178: {  	_ =	sfence.sel $0x180000  }
0x179: {  	[bflag:$0x0] =	sbarrier.arrive $0xFFFF  }
0x17a: {  	_ =	strace $0x90000047  }
0x17b: {  	s0 =	stileid.u32;
	[bflag:$0x2] =	sbarrier.arrive $0xFFFF  }
0x17c: {  	p0 =	sne.s32 s0, $0x0;
	s0 =	rddreg [dreg:$0x3]  }
0x17d: {  	s0 =	sadd.s32 @!p0 $0x100000, s0  }
0x17e: {  	[sflag:s0] =	ssyncadd.tile.s32 @!p0 $0x1;
	_ =	shalt  }
.Lfunc_end2:
_tile_overlayer_lowered:
.L_overlay_start_2:
0x17f: {  	(tag) =	ssettag $0x2  }
0x180: {  	s0 =	rddreg [dreg:$0x0];
	s2 =	stileid.u32  }
0x181: {  	s1 =	rddreg [dreg:$0x1];
	p0 =	sne.s32 s2, $0x0  }
0x182: {  	s3 =	rddreg [dreg:$0x2];
	[bflag:$0x3] =	sbarrier.arrive $0xFFFF;
	s2 =	simm.s32 @!p0 $0x1C0B  }
0x183: {  	[timem:s3], [sflag:s2] =	dma.local @!p0 [hbm:s0], s1  }
0x184: {  	s0 =	simm.s32 @!p0 $0xB  }
0x185: {  	_ =	swait.ge @!p0 [sflag:s0], s1  }
0x186: {  	s1 =	ssub.s32 @!p0 $0x0, s1;
	[sflag:s0] =	ssyncset.done @!p0 $0x0  }
0x187: {  	[sflag:s0] =	ssyncadd.s32 @!p0 s1  }
0x188: {  	[bflag:$0x3] =	sbarrier.arrive $0xFFFF  }
0x189: {  	_ =	shalt  }

</sc_bundles>
